<compile_context>
chip_gen: v7x
topology: tpu7x:2x2x1
jax: 0.10.2.dev20260603
libtpu: 0.0.44.dev20260713+nightly
codegen_flags: <defaults>
</compile_context>

<pallas_src>
import functools

import jax
import jax.numpy as jnp
from jax import lax
from jax.experimental import pallas as pl
from jax.experimental.pallas import tpu as pltpu
from jax.experimental.pallas import tpu_sc as plsc

N_NODES = 10000
N_EDGES = 160000
F = 256
H = 512
NBR = 16
EPS = 1e-5

NC = 2
NS = 16
NW = NC * NS


_A_BLK = 1000


def _proj_body(x_ref, w1_ref, w2_ref, o1_ref, o2_ref):
    x = x_ref[...]
    o1_ref[...] = jnp.dot(x, w1_ref[...], preferred_element_type=jnp.float32)
    o2_ref[...] = jnp.dot(x, w2_ref[...], preferred_element_type=jnp.float32)


def _node_proj(x, w_self, w_nbr):
    grid = N_NODES // _A_BLK
    return pl.pallas_call(
        _proj_body,
        grid=(grid,),
        in_specs=[
            pl.BlockSpec((_A_BLK, F), lambda i: (i, 0)),
            pl.BlockSpec((F, H), lambda i: (0, 0)),
            pl.BlockSpec((F, H), lambda i: (0, 0)),
        ],
        out_specs=[
            pl.BlockSpec((_A_BLK, H), lambda i: (i, 0)),
            pl.BlockSpec((_A_BLK, H), lambda i: (i, 0)),
        ],
        out_shape=[
            jax.ShapeDtypeStruct((N_NODES, H), jnp.float32),
            jax.ShapeDtypeStruct((N_NODES, H), jnp.float32),
        ],
    )(x, w_self, w_nbr)



_B_EPW = N_EDGES // NW
_B_CH = 40
_B_NCH = _B_EPW // _B_CH


def _sc_gather_body(ps_hbm, pn_hbm, si_hbm, ni_hbm, out_hbm,
                    si_v, ni_v, a_v, b_v, sem_a, sem_b):
    wid = lax.axis_index("s") * NC + lax.axis_index("c")
    base = wid * _B_EPW
    pltpu.sync_copy(si_hbm.at[pl.ds(base, _B_EPW)], si_v)
    pltpu.sync_copy(ni_hbm.at[pl.ds(base, _B_EPW)], ni_v)

    def chunk(i, carry):
        e0 = base + i * _B_CH
        cpa = pltpu.async_copy(ps_hbm.at[si_v.at[pl.ds(i * _B_CH, _B_CH)]],
                               a_v, sem_a)
        cpb = pltpu.async_copy(pn_hbm.at[ni_v.at[pl.ds(i * _B_CH, _B_CH)]],
                               b_v, sem_b)
        cpa.wait()
        cpb.wait()

        def row(r, c2):
            for k in range(H // 16):
                sl = pl.ds(k * 16, 16)
                a_v[r, sl] = a_v[r, sl] + b_v[r, sl]
            return c2

        lax.fori_loop(0, _B_CH, row, 0, unroll=False)
        pltpu.sync_copy(a_v, out_hbm.at[pl.ds(e0, _B_CH)])
        return carry

    lax.fori_loop(0, _B_NCH, chunk, 0, unroll=False)


def _sc_gather(p_self, p_nbr, si, ni):
    mesh = plsc.VectorSubcoreMesh(core_axis_name="c", subcore_axis_name="s")
    k = functools.partial(
        pl.kernel,
        out_type=jax.ShapeDtypeStruct((N_EDGES, H), jnp.float32),
        mesh=mesh,
        scratch_types=[
            pltpu.VMEM((_B_EPW,), jnp.int32),
            pltpu.VMEM((_B_EPW,), jnp.int32),
            pltpu.VMEM((_B_CH, H), jnp.float32),
            pltpu.VMEM((_B_CH, H), jnp.float32),
            pltpu.SemaphoreType.DMA,
            pltpu.SemaphoreType.DMA,
        ],
    )(_sc_gather_body)
    return k(p_self, p_nbr, si, ni)



_C_BLK = 2000
_C_GRID = N_EDGES // _C_BLK


def _stats_body(g_ref, nf_ref, we_ref, o_ref):
    t = g_ref[...] + jnp.dot(nf_ref[...], we_ref[...],
                             preferred_element_type=jnp.float32)
    s = jnp.sum(t, axis=0)
    s2 = jnp.sum(t * t, axis=0)

    @pl.when(pl.program_id(0) == 0)
    def _():
        o_ref[...] = jnp.zeros_like(o_ref)

    o_ref[0, :] += s
    o_ref[1, :] += s2


def _edge_stats(g, nbr_fea, w_e):
    return pl.pallas_call(
        _stats_body,
        grid=(_C_GRID,),
        in_specs=[
            pl.BlockSpec((_C_BLK, H), lambda i: (i, 0)),
            pl.BlockSpec((_C_BLK, NBR), lambda i: (i, 0)),
            pl.BlockSpec((NBR, H), lambda i: (0, 0)),
        ],
        out_specs=pl.BlockSpec((2, H), lambda i: (0, 0)),
        out_shape=jax.ShapeDtypeStruct((2, H), jnp.float32),
    )(g, nbr_fea, w_e)




def _softplus(x):
    return jnp.maximum(x, 0.0) + jnp.log1p(jnp.exp(-jnp.abs(x)))


def _gate_body(g_ref, nf_ref, we_ref, sc_ref, sh_ref, o_ref):
    t = g_ref[...] + jnp.dot(nf_ref[...], we_ref[...],
                             preferred_element_type=jnp.float32)
    t = t * sc_ref[...] + sh_ref[...]
    filt = jax.nn.sigmoid(t[:, :F])
    core = _softplus(t[:, F:])
    o_ref[...] = filt * core


def _edge_gate(g, nbr_fea, w_e, scale1, shift1):
    return pl.pallas_call(
        _gate_body,
        grid=(_C_GRID,),
        in_specs=[
            pl.BlockSpec((_C_BLK, H), lambda i: (i, 0)),
            pl.BlockSpec((_C_BLK, NBR), lambda i: (i, 0)),
            pl.BlockSpec((NBR, H), lambda i: (0, 0)),
            pl.BlockSpec((1, H), lambda i: (0, 0)),
            pl.BlockSpec((1, H), lambda i: (0, 0)),
        ],
        out_specs=pl.BlockSpec((_C_BLK, F), lambda i: (i, 0)),
        out_shape=jax.ShapeDtypeStruct((N_EDGES, F), jnp.float32),
    )(g, nbr_fea, w_e, scale1, shift1)



_E_FPC = F // NC
_E_EPT = N_EDGES // NS
_E_CH = 80
_E_NCH = _E_EPT // _E_CH
_E_RCH = 200
_E_NRCH = N_NODES // _E_RCH


def _sc_segsum_body(msg_hbm, si_hbm, out_hbm, acc_sh, idx_v, rows_v, zero_v):
    cid = lax.axis_index("c")
    sid = lax.axis_index("s")

    def zfill(k, c2):
        zero_v[k, pl.ds(0, 16)] = jnp.zeros((16,), jnp.float32)
        for j in range(1, _E_FPC // 16):
            zero_v[k, pl.ds(j * 16, 16)] = jnp.zeros((16,), jnp.float32)
        return c2

    lax.fori_loop(0, _E_RCH, zfill, 0, unroll=False)

    def zrow(t, c2):
        c = sid + t * NS

        @pl.when(c < _E_NRCH)
        def _():
            pltpu.sync_copy(zero_v, acc_sh.at[pl.ds(c * _E_RCH, _E_RCH)])

        return c2

    lax.fori_loop(0, (_E_NRCH + NS - 1) // NS, zrow, 0, unroll=False)
    plsc.subcore_barrier()

    ebase = sid * _E_EPT

    def chunk(i, carry):
        e0 = ebase + i * _E_CH
        pltpu.sync_copy(si_hbm.at[pl.ds(e0, _E_CH)], idx_v)
        pltpu.sync_copy(
            msg_hbm.at[pl.ds(e0, _E_CH), pl.ds(cid * _E_FPC, _E_FPC)],
            rows_v)
        pltpu.sync_copy(rows_v, acc_sh.at[idx_v], add=True)
        return carry

    lax.fori_loop(0, _E_NCH, chunk, 0, unroll=False)
    plsc.subcore_barrier()

    def wrow(t, c2):
        c = sid + t * NS

        @pl.when(c < _E_NRCH)
        def _():
            pltpu.sync_copy(
                acc_sh.at[pl.ds(c * _E_RCH, _E_RCH)],
                out_hbm.at[pl.ds(c * _E_RCH, _E_RCH),
                           pl.ds(cid * _E_FPC, _E_FPC)])

        return c2

    lax.fori_loop(0, (_E_NRCH + NS - 1) // NS, wrow, 0, unroll=False)


def _sc_segsum(msg, si):
    mesh = plsc.VectorSubcoreMesh(core_axis_name="c", subcore_axis_name="s")
    k = functools.partial(
        pl.kernel,
        out_type=jax.ShapeDtypeStruct((N_NODES, F), jnp.float32),
        mesh=mesh,
        scratch_types=[
            pltpu.VMEM_SHARED((N_NODES, _E_FPC), jnp.float32),
            pltpu.VMEM((_E_CH,), jnp.int32),
            pltpu.VMEM((_E_CH, _E_FPC), jnp.float32),
            pltpu.VMEM((_E_RCH, _E_FPC), jnp.float32),
        ],
    )(_sc_segsum_body)
    return k(msg, si)



_F_BLK = 2000
_F_GRID = N_NODES // _F_BLK


def _nstats_body(x_ref, o_ref):
    x = x_ref[...]

    @pl.when(pl.program_id(0) == 0)
    def _():
        o_ref[...] = jnp.zeros_like(o_ref)

    o_ref[0, :] += jnp.sum(x, axis=0)
    o_ref[1, :] += jnp.sum(x * x, axis=0)


def _node_stats(ns):
    return pl.pallas_call(
        _nstats_body,
        grid=(_F_GRID,),
        in_specs=[pl.BlockSpec((_F_BLK, F), lambda i: (i, 0))],
        out_specs=pl.BlockSpec((2, F), lambda i: (0, 0)),
        out_shape=jax.ShapeDtypeStruct((2, F), jnp.float32),
    )(ns)


def _out_body(x_ref, ns_ref, sc_ref, sh_ref, o_ref):
    v = x_ref[...] + ns_ref[...] * sc_ref[...] + sh_ref[...]
    o_ref[...] = _softplus(v)


def _node_out(atom, ns, scale2, shift2):
    return pl.pallas_call(
        _out_body,
        grid=(_F_GRID,),
        in_specs=[
            pl.BlockSpec((_F_BLK, F), lambda i: (i, 0)),
            pl.BlockSpec((_F_BLK, F), lambda i: (i, 0)),
            pl.BlockSpec((1, F), lambda i: (0, 0)),
            pl.BlockSpec((1, F), lambda i: (0, 0)),
        ],
        out_specs=pl.BlockSpec((_F_BLK, F), lambda i: (i, 0)),
        out_shape=jax.ShapeDtypeStruct((N_NODES, F), jnp.float32),
    )(atom, ns, scale2, shift2)




def kernel(atom_in_fea, nbr_fea, self_fea_idx, nbr_fea_idx, W, b,
           bn1_g, bn1_b, bn2_g, bn2_b):
    del b
    si = self_fea_idx.astype(jnp.int32)
    ni = nbr_fea_idx.astype(jnp.int32)
    w_self = W[:F, :]
    w_nbr = W[F:2 * F, :]
    w_e = W[2 * F:, :]

    p_self, p_nbr = _node_proj(atom_in_fea, w_self, w_nbr)
    g = _sc_gather(p_self, p_nbr, si, ni)

    st1 = _edge_stats(g, nbr_fea, w_e)
    mu1 = st1[0] / N_EDGES
    var1 = st1[1] / N_EDGES - mu1 * mu1
    scale1 = bn1_g * lax.rsqrt(var1 + EPS)
    shift1 = bn1_b - mu1 * scale1

    msg = _edge_gate(g, nbr_fea, w_e, scale1[None, :], shift1[None, :])
    nbr_sumed = _sc_segsum(msg, si)

    st2 = _node_stats(nbr_sumed)
    mu2 = st2[0] / N_NODES
    var2 = st2[1] / N_NODES - mu2 * mu2
    scale2 = bn2_g * lax.rsqrt(var2 + EPS)
    shift2 = bn2_b - mu2 * scale2

    return _node_out(atom_in_fea, nbr_sumed, scale2[None, :], shift2[None, :])

# --- scband reference (transcript-rebuilt; emitter-appended) ---
"""Pipeline reference for scband-conv-layer-12189117186414 (READ-ONLY COPY).

The authoritative reference and input builder live on the scoring server;
editing this copy changes nothing except your own understanding.
"""

import jax, jax.numpy as jnp
import numpy as np

N_NODES = 10000
N_EDGES = 160000
ATOM_FEA = 256
NBR_FEA = 16
EPS = 1e-5

def setup_inputs(seed: int = 0) -> dict:
    key = jax.random.key(seed)
    k1, k2, k3, k4, k5, k6 = jax.random.split(key, 6)
    atom_in_fea = jax.random.normal(k1, (N_NODES, ATOM_FEA), dtype=jnp.float32)
    nbr_fea = jax.random.normal(k2, (N_EDGES, NBR_FEA), dtype=jnp.float32)
    self_fea_idx = jnp.sort(jax.random.randint(k3, (N_EDGES,), 0, N_NODES, dtype=jnp.int64))
    nbr_fea_idx = jax.random.randint(k4, (N_EDGES,), 0, N_NODES, dtype=jnp.int64)
    in_dim = 2 * ATOM_FEA + NBR_FEA
    out_dim = 2 * ATOM_FEA
    bound = 1.0 / np.sqrt(in_dim)
    W = jax.random.uniform(k5, (in_dim, out_dim), dtype=jnp.float32, minval=-bound, maxval=bound)
    b = jax.random.uniform(k6, (out_dim,), dtype=jnp.float32, minval=-bound, maxval=bound)
    bn1_g = jnp.ones((out_dim,), dtype=jnp.float32)
    bn1_b = jnp.zeros((out_dim,), dtype=jnp.float32)
    bn2_g = jnp.ones((ATOM_FEA,), dtype=jnp.float32)
    bn2_b = jnp.zeros((ATOM_FEA,), dtype=jnp.float32)
    return {"atom_in_fea": atom_in_fea, "nbr_fea": nbr_fea, "self_fea_idx": self_fea_idx,
            "nbr_fea_idx": nbr_fea_idx, "W": W, "b": b,
            "bn1_g": bn1_g, "bn1_b": bn1_b, "bn2_g": bn2_g, "bn2_b": bn2_b}

def reference(atom_in_fea, nbr_fea, self_fea_idx, nbr_fea_idx, W, b, bn1_g, bn1_b, bn2_g, bn2_b):
    # gather node features along edges
    atom_nbr_fea = jnp.take(atom_in_fea, nbr_fea_idx, axis=0)
    atom_self_fea = jnp.take(atom_in_fea, self_fea_idx, axis=0)
    total_fea = jnp.concatenate([atom_self_fea, atom_nbr_fea, nbr_fea], axis=1)
    total_fea = total_fea @ W + b
    # BatchNorm1d in training mode: biased batch statistics
    mu1 = jnp.mean(total_fea, axis=0)
    var1 = jnp.var(total_fea, axis=0)
    total_fea = (total_fea - mu1) / jnp.sqrt(var1 + EPS) * bn1_g + bn1_b
    filter_fea, core_fea = jnp.split(total_fea, 2, axis=1)
    filter_fea = jax.nn.sigmoid(filter_fea)
    core_fea = jax.nn.softplus(core_fea)
    nbr_msg = filter_fea * core_fea
    # scatter-add pooling back to atoms
    nbr_sumed = jax.ops.segment_sum(nbr_msg, self_fea_idx, num_segments=atom_in_fea.shape[0])
    mu2 = jnp.mean(nbr_sumed, axis=0)
    var2 = jnp.var(nbr_sumed, axis=0)
    nbr_sumed = (nbr_sumed - mu2) / jnp.sqrt(var2 + EPS) * bn2_g + bn2_b
    out = jax.nn.softplus(atom_in_fea + nbr_sumed)
    return out

if __name__ == "__main__":
    import jax
    _d = setup_inputs()
    print(jax.jit(kernel)(*tuple(_d.values())))

</pallas_src>

<mosaic_0001>
#map = affine_map<(d0, d1) -> (0, 0)>
#map1 = affine_map<(d0, d1) -> (0)>
module attributes {stable_mosaic.version = 14 : i64} {
  func.func @_sc_gather_body(%arg0: i32, %arg1: i32, %arg2: memref<10000x512xf32, #tpu.memory_space<hbm>>, %arg3: memref<10000x512xf32, #tpu.memory_space<hbm>>, %arg4: memref<160000xi32, #tpu.memory_space<hbm>>, %arg5: memref<160000xi32, #tpu.memory_space<hbm>>, %arg6: memref<160000x512xf32, #tpu.memory_space<hbm>>, %arg7: memref<5000xi32, #tpu.memory_space<vmem>>, %arg8: memref<5000xi32, #tpu.memory_space<vmem>>, %arg9: memref<40x512xf32, #tpu.memory_space<vmem>>, %arg10: memref<40x512xf32, #tpu.memory_space<vmem>>, %arg11: memref<!tpu.dma_semaphore, #tpu.memory_space<semaphore_mem>>, %arg12: memref<!tpu.dma_semaphore, #tpu.memory_space<semaphore_mem>>) attributes {dimension_semantics = [#tpu.dimension_semantics<core_parallel>, #tpu.dimension_semantics<subcore_parallel>], iteration_bounds = array<i64: 2, 16>, scalar_prefetch = 0 : i64, scratch_operands = 6 : i64, tpu.core_type = #tpu.core_type<sc_vector_subcore>, window_params = [{transform_indices = #map}, {transform_indices = #map}, {transform_indices = #map1}, {transform_indices = #map1}, {transform_indices = #map}]} {
    %mul3A = arith.constant 2 : i32
    %mul3A_0 = arith.muli %arg1, %mul3A : i32
    %add3A = arith.addi %mul3A_0, %arg0 : i32
    %mul3A_1 = arith.constant 5000 : i32
    %mul3A_2 = arith.muli %add3A, %mul3A_1 : i32
    "tpu.region"() ({
      %run_scoped3A = tpu.sem_alloc : memref<!tpu.dma_semaphore, #tpu.memory_space<semaphore_mem>>
      %dma_start3A = tpu.memref_slice %arg4[%mul3A_2] : memref<160000xi32, #tpu.memory_space<hbm>> -> memref<5000xi32, #tpu.memory_space<hbm>>
      %dma_start3A_8 = tpu.memref_slice %arg4[%mul3A_2] : memref<160000xi32, #tpu.memory_space<hbm>> -> memref<5000xi32, #tpu.memory_space<hbm>>
      tpu.enqueue_dma source(%dma_start3A_8 : memref<5000xi32, #tpu.memory_space<hbm>>) target(%arg7 : memref<5000xi32, #tpu.memory_space<vmem>>) target_semaphore(%run_scoped3A : memref<!tpu.dma_semaphore, #tpu.memory_space<semaphore_mem>>)
      %dma_wait3A = tpu.memref_slice %arg4[%mul3A_2] : memref<160000xi32, #tpu.memory_space<hbm>> -> memref<5000xi32, #tpu.memory_space<hbm>>
      %dma_wait3A_9 = tpu.memref_slice %arg4[%mul3A_2] : memref<160000xi32, #tpu.memory_space<hbm>> -> memref<5000xi32, #tpu.memory_space<hbm>>
      tpu.wait_dma2 semaphore(%run_scoped3A : memref<!tpu.dma_semaphore, #tpu.memory_space<semaphore_mem>>) src(%dma_wait3A_9 : memref<5000xi32, #tpu.memory_space<hbm>>) dst(%arg7 : memref<5000xi32, #tpu.memory_space<vmem>>)
      tpu.yield
    }) : () -> ()
    "tpu.region"() ({
      %run_scoped3A = tpu.sem_alloc : memref<!tpu.dma_semaphore, #tpu.memory_space<semaphore_mem>>
      %dma_start3A = tpu.memref_slice %arg5[%mul3A_2] : memref<160000xi32, #tpu.memory_space<hbm>> -> memref<5000xi32, #tpu.memory_space<hbm>>
      %dma_start3A_8 = tpu.memref_slice %arg5[%mul3A_2] : memref<160000xi32, #tpu.memory_space<hbm>> -> memref<5000xi32, #tpu.memory_space<hbm>>
      tpu.enqueue_dma source(%dma_start3A_8 : memref<5000xi32, #tpu.memory_space<hbm>>) target(%arg8 : memref<5000xi32, #tpu.memory_space<vmem>>) target_semaphore(%run_scoped3A : memref<!tpu.dma_semaphore, #tpu.memory_space<semaphore_mem>>)
      %dma_wait3A = tpu.memref_slice %arg5[%mul3A_2] : memref<160000xi32, #tpu.memory_space<hbm>> -> memref<5000xi32, #tpu.memory_space<hbm>>
      %dma_wait3A_9 = tpu.memref_slice %arg5[%mul3A_2] : memref<160000xi32, #tpu.memory_space<hbm>> -> memref<5000xi32, #tpu.memory_space<hbm>>
      tpu.wait_dma2 semaphore(%run_scoped3A : memref<!tpu.dma_semaphore, #tpu.memory_space<semaphore_mem>>) src(%dma_wait3A_9 : memref<5000xi32, #tpu.memory_space<hbm>>) dst(%arg8 : memref<5000xi32, #tpu.memory_space<vmem>>)
      tpu.yield
    }) : () -> ()
    %scan3A = arith.constant 0 : i32
    %scan3A_3 = arith.constant 0 : i32
    %scan3A_4 = arith.constant 125 : i32
    %scan3A_5 = arith.addi %scan3A_3, %scan3A_4 : i32
    %scan3A_6 = arith.constant 1 : i32
    scf.for %scan3A_8 = %scan3A_3 to %scan3A_5 step %scan3A_6  : i32 {
      %mul3A_9 = arith.constant 40 : i32
      %mul3A_10 = arith.muli %scan3A_8, %mul3A_9 : i32
      %add3A_11 = arith.addi %mul3A_2, %mul3A_10 : i32
      %mul3A_12 = arith.constant 40 : i32
      %mul3A_13 = arith.muli %scan3A_8, %mul3A_12 : i32
      %dma_start3A = tpu.memref_slice %arg7[%mul3A_13] : memref<5000xi32, #tpu.memory_space<vmem>> -> memref<40xi32, #tpu.memory_space<vmem>>
      %dma_start3A_14 = arith.constant 0 : i32
      %dma_start3A_15 = arith.constant 0 : i32
      %dma_start3A_16 = tpu.memref_slice %arg2[%dma_start3A_14, %dma_start3A_15] : memref<10000x512xf32, #tpu.memory_space<hbm>> -> memref<10000x512xf32, #tpu.memory_space<hbm>>
      tpu.enqueue_indirect_dma source(%dma_start3A_16 : memref<10000x512xf32, #tpu.memory_space<hbm>>) target(%arg9 : memref<40x512xf32, #tpu.memory_space<vmem>>) offsets(%dma_start3A : memref<40xi32, #tpu.memory_space<vmem>>) semaphore(%arg11 : memref<!tpu.dma_semaphore, #tpu.memory_space<semaphore_mem>>)
      %mul3A_17 = arith.constant 40 : i32
      %mul3A_18 = arith.muli %scan3A_8, %mul3A_17 : i32
      %dma_start3A_19 = tpu.memref_slice %arg8[%mul3A_18] : memref<5000xi32, #tpu.memory_space<vmem>> -> memref<40xi32, #tpu.memory_space<vmem>>
      %dma_start3A_20 = arith.constant 0 : i32
      %dma_start3A_21 = arith.constant 0 : i32
      %dma_start3A_22 = tpu.memref_slice %arg3[%dma_start3A_20, %dma_start3A_21] : memref<10000x512xf32, #tpu.memory_space<hbm>> -> memref<10000x512xf32, #tpu.memory_space<hbm>>
      tpu.enqueue_indirect_dma source(%dma_start3A_22 : memref<10000x512xf32, #tpu.memory_space<hbm>>) target(%arg10 : memref<40x512xf32, #tpu.memory_space<vmem>>) offsets(%dma_start3A_19 : memref<40xi32, #tpu.memory_space<vmem>>) semaphore(%arg12 : memref<!tpu.dma_semaphore, #tpu.memory_space<semaphore_mem>>)
      %dma_wait3A = tpu.memref_slice %arg7[%mul3A_13] : memref<5000xi32, #tpu.memory_space<vmem>> -> memref<40xi32, #tpu.memory_space<vmem>>
      %dma_wait3A_23 = arith.constant 0 : i32
      %dma_wait3A_24 = arith.constant 0 : i32
      %dma_wait3A_25 = tpu.memref_slice %arg2[%dma_wait3A_23, %dma_wait3A_24] : memref<10000x512xf32, #tpu.memory_space<hbm>> -> memref<10000x512xf32, #tpu.memory_space<hbm>>
      tpu.wait_indirect_dma semaphore(%arg11 : memref<!tpu.dma_semaphore, #tpu.memory_space<semaphore_mem>>) src(%dma_wait3A_25 : memref<10000x512xf32, #tpu.memory_space<hbm>>) dst(%arg9 : memref<40x512xf32, #tpu.memory_space<vmem>>)
      %dma_wait3A_26 = tpu.memref_slice %arg8[%mul3A_18] : memref<5000xi32, #tpu.memory_space<vmem>> -> memref<40xi32, #tpu.memory_space<vmem>>
      %dma_wait3A_27 = arith.constant 0 : i32
      %dma_wait3A_28 = arith.constant 0 : i32
      %dma_wait3A_29 = tpu.memref_slice %arg3[%dma_wait3A_27, %dma_wait3A_28] : memref<10000x512xf32, #tpu.memory_space<hbm>> -> memref<10000x512xf32, #tpu.memory_space<hbm>>
      tpu.wait_indirect_dma semaphore(%arg12 : memref<!tpu.dma_semaphore, #tpu.memory_space<semaphore_mem>>) src(%dma_wait3A_29 : memref<10000x512xf32, #tpu.memory_space<hbm>>) dst(%arg10 : memref<40x512xf32, #tpu.memory_space<vmem>>)
      %scan3A_30 = arith.constant 0 : i32
      %scan3A_31 = arith.constant 0 : i32
      %scan3A_32 = arith.constant 40 : i32
      %scan3A_33 = arith.addi %scan3A_31, %scan3A_32 : i32
      %scan3A_34 = arith.constant 1 : i32
      scf.for %scan3A_36 = %scan3A_31 to %scan3A_33 step %scan3A_34  : i32 {
        %get3A = arith.index_cast %scan3A_36 : i32 to index
        %get3A_37 = arith.constant 0 : index
        %get3A_38 = tpu.vector_load %arg9[%get3A, %get3A_37] {strides = array<i32>} : memref<40x512xf32, #tpu.memory_space<vmem>>, vector<1x16xf32>,
        %get3A_39 = vector.shape_cast %get3A_38 : vector<1x16xf32> to vector<16xf32>
        %get3A_40 = arith.index_cast %scan3A_36 : i32 to index
        %get3A_41 = arith.constant 0 : index
        %get3A_42 = tpu.vector_load %arg10[%get3A_40, %get3A_41] {strides = array<i32>} : memref<40x512xf32, #tpu.memory_space<vmem>>, vector<1x16xf32>,
        %get3A_43 = vector.shape_cast %get3A_42 : vector<1x16xf32> to vector<16xf32>
        %add3A_44 = arith.addf %get3A_39, %get3A_43 : vector<16xf32>
        %swap3A = arith.index_cast %scan3A_36 : i32 to index
        %swap3A_45 = arith.constant 0 : index
        %swap3A_46 = tpu.vector_load %arg9[%swap3A, %swap3A_45] {strides = array<i32>} : memref<40x512xf32, #tpu.memory_space<vmem>>, vector<1x16xf32>,
        %swap3A_47 = vector.shape_cast %swap3A_46 : vector<1x16xf32> to vector<16xf32>
        %swap3A_48 = vector.shape_cast %add3A_44 : vector<16xf32> to vector<1x16xf32>
        tpu.vector_store %arg9[%swap3A, %swap3A_45], %swap3A_48 {strides = array<i32>} : memref<40x512xf32, #tpu.memory_space<vmem>>, vector<1x16xf32>,
        %get3A_49 = arith.index_cast %scan3A_36 : i32 to index
        %get3A_50 = arith.constant 16 : index
        %get3A_51 = tpu.vector_load %arg9[%get3A_49, %get3A_50] {strides = array<i32>} : memref<40x512xf32, #tpu.memory_space<vmem>>, vector<1x16xf32>,
        %get3A_52 = vector.shape_cast %get3A_51 : vector<1x16xf32> to vector<16xf32>
        %get3A_53 = arith.index_cast %scan3A_36 : i32 to index
        %get3A_54 = arith.constant 16 : index
        %get3A_55 = tpu.vector_load %arg10[%get3A_53, %get3A_54] {strides = array<i32>} : memref<40x512xf32, #tpu.memory_space<vmem>>, vector<1x16xf32>,
        %get3A_56 = vector.shape_cast %get3A_55 : vector<1x16xf32> to vector<16xf32>
        %add3A_57 = arith.addf %get3A_52, %get3A_56 : vector<16xf32>
        %swap3A_58 = arith.index_cast %scan3A_36 : i32 to index
        %swap3A_59 = arith.constant 16 : index
        %swap3A_60 = tpu.vector_load %arg9[%swap3A_58, %swap3A_59] {strides = array<i32>} : memref<40x512xf32, #tpu.memory_space<vmem>>, vector<1x16xf32>,
        %swap3A_61 = vector.shape_cast %swap3A_60 : vector<1x16xf32> to vector<16xf32>
        %swap3A_62 = vector.shape_cast %add3A_57 : vector<16xf32> to vector<1x16xf32>
        tpu.vector_store %arg9[%swap3A_58, %swap3A_59], %swap3A_62 {strides = array<i32>} : memref<40x512xf32, #tpu.memory_space<vmem>>, vector<1x16xf32>,
        %get3A_63 = arith.index_cast %scan3A_36 : i32 to index
        %get3A_64 = arith.constant 32 : index
        %get3A_65 = tpu.vector_load %arg9[%get3A_63, %get3A_64] {strides = array<i32>} : memref<40x512xf32, #tpu.memory_space<vmem>>, vector<1x16xf32>,
        %get3A_66 = vector.shape_cast %get3A_65 : vector<1x16xf32> to vector<16xf32>
        %get3A_67 = arith.index_cast %scan3A_36 : i32 to index
        %get3A_68 = arith.constant 32 : index
        %get3A_69 = tpu.vector_load %arg10[%get3A_67, %get3A_68] {strides = array<i32>} : memref<40x512xf32, #tpu.memory_space<vmem>>, vector<1x16xf32>,
        %get3A_70 = vector.shape_cast %get3A_69 : vector<1x16xf32> to vector<16xf32>
        %add3A_71 = arith.addf %get3A_66, %get3A_70 : vector<16xf32>
        %swap3A_72 = arith.index_cast %scan3A_36 : i32 to index
        %swap3A_73 = arith.constant 32 : index
        %swap3A_74 = tpu.vector_load %arg9[%swap3A_72, %swap3A_73] {strides = array<i32>} : memref<40x512xf32, #tpu.memory_space<vmem>>, vector<1x16xf32>,
        %swap3A_75 = vector.shape_cast %swap3A_74 : vector<1x16xf32> to vector<16xf32>
        %swap3A_76 = vector.shape_cast %add3A_71 : vector<16xf32> to vector<1x16xf32>
        tpu.vector_store %arg9[%swap3A_72, %swap3A_73], %swap3A_76 {strides = array<i32>} : memref<40x512xf32, #tpu.memory_space<vmem>>, vector<1x16xf32>,
        %get3A_77 = arith.index_cast %scan3A_36 : i32 to index
        %get3A_78 = arith.constant 48 : index
        %get3A_79 = tpu.vector_load %arg9[%get3A_77, %get3A_78] {strides = array<i32>} : memref<40x512xf32, #tpu.memory_space<vmem>>, vector<1x16xf32>,
        %get3A_80 = vector.shape_cast %get3A_79 : vector<1x16xf32> to vector<16xf32>
        %get3A_81 = arith.index_cast %scan3A_36 : i32 to index
        %get3A_82 = arith.constant 48 : index
        %get3A_83 = tpu.vector_load %arg10[%get3A_81, %get3A_82] {strides = array<i32>} : memref<40x512xf32, #tpu.memory_space<vmem>>, vector<1x16xf32>,
        %get3A_84 = vector.shape_cast %get3A_83 : vector<1x16xf32> to vector<16xf32>
        %add3A_85 = arith.addf %get3A_80, %get3A_84 : vector<16xf32>
        %swap3A_86 = arith.index_cast %scan3A_36 : i32 to index
        %swap3A_87 = arith.constant 48 : index
        %swap3A_88 = tpu.vector_load %arg9[%swap3A_86, %swap3A_87] {strides = array<i32>} : memref<40x512xf32, #tpu.memory_space<vmem>>, vector<1x16xf32>,
        %swap3A_89 = vector.shape_cast %swap3A_88 : vector<1x16xf32> to vector<16xf32>
        %swap3A_90 = vector.shape_cast %add3A_85 : vector<16xf32> to vector<1x16xf32>
        tpu.vector_store %arg9[%swap3A_86, %swap3A_87], %swap3A_90 {strides = array<i32>} : memref<40x512xf32, #tpu.memory_space<vmem>>, vector<1x16xf32>,
        %get3A_91 = arith.index_cast %scan3A_36 : i32 to index
        %get3A_92 = arith.constant 64 : index
        %get3A_93 = tpu.vector_load %arg9[%get3A_91, %get3A_92] {strides = array<i32>} : memref<40x512xf32, #tpu.memory_space<vmem>>, vector<1x16xf32>,
        %get3A_94 = vector.shape_cast %get3A_93 : vector<1x16xf32> to vector<16xf32>
        %get3A_95 = arith.index_cast %scan3A_36 : i32 to index
        %get3A_96 = arith.constant 64 : index
        %get3A_97 = tpu.vector_load %arg10[%get3A_95, %get3A_96] {strides = array<i32>} : memref<40x512xf32, #tpu.memory_space<vmem>>, vector<1x16xf32>,
        %get3A_98 = vector.shape_cast %get3A_97 : vector<1x16xf32> to vector<16xf32>
        %add3A_99 = arith.addf %get3A_94, %get3A_98 : vector<16xf32>
        %swap3A_100 = arith.index_cast %scan3A_36 : i32 to index
        %swap3A_101 = arith.constant 64 : index
        %swap3A_102 = tpu.vector_load %arg9[%swap3A_100, %swap3A_101] {strides = array<i32>} : memref<40x512xf32, #tpu.memory_space<vmem>>, vector<1x16xf32>,
        %swap3A_103 = vector.shape_cast %swap3A_102 : vector<1x16xf32> to vector<16xf32>
        %swap3A_104 = vector.shape_cast %add3A_99 : vector<16xf32> to vector<1x16xf32>
        tpu.vector_store %arg9[%swap3A_100, %swap3A_101], %swap3A_104 {strides = array<i32>} : memref<40x512xf32, #tpu.memory_space<vmem>>, vector<1x16xf32>,
        %get3A_105 = arith.index_cast %scan3A_36 : i32 to index
        %get3A_106 = arith.constant 80 : index
        %get3A_107 = tpu.vector_load %arg9[%get3A_105, %get3A_106] {strides = array<i32>} : memref<40x512xf32, #tpu.memory_space<vmem>>, vector<1x16xf32>,
        %get3A_108 = vector.shape_cast %get3A_107 : vector<1x16xf32> to vector<16xf32>
        %get3A_109 = arith.index_cast %scan3A_36 : i32 to index
        %get3A_110 = arith.constant 80 : index
        %get3A_111 = tpu.vector_load %arg10[%get3A_109, %get3A_110] {strides = array<i32>} : memref<40x512xf32, #tpu.memory_space<vmem>>, vector<1x16xf32>,
        %get3A_112 = vector.shape_cast %get3A_111 : vector<1x16xf32> to vector<16xf32>
        %add3A_113 = arith.addf %get3A_108, %get3A_112 : vector<16xf32>
        %swap3A_114 = arith.index_cast %scan3A_36 : i32 to index
        %swap3A_115 = arith.constant 80 : index
        %swap3A_116 = tpu.vector_load %arg9[%swap3A_114, %swap3A_115] {strides = array<i32>} : memref<40x512xf32, #tpu.memory_space<vmem>>, vector<1x16xf32>,
        %swap3A_117 = vector.shape_cast %swap3A_116 : vector<1x16xf32> to vector<16xf32>
        %swap3A_118 = vector.shape_cast %add3A_113 : vector<16xf32> to vector<1x16xf32>
        tpu.vector_store %arg9[%swap3A_114, %swap3A_115], %swap3A_118 {strides = array<i32>} : memref<40x512xf32, #tpu.memory_space<vmem>>, vector<1x16xf32>,
        %get3A_119 = arith.index_cast %scan3A_36 : i32 to index
        %get3A_120 = arith.constant 96 : index
        %get3A_121 = tpu.vector_load %arg9[%get3A_119, %get3A_120] {strides = array<i32>} : memref<40x512xf32, #tpu.memory_space<vmem>>, vector<1x16xf32>,
        %get3A_122 = vector.shape_cast %get3A_121 : vector<1x16xf32> to vector<16xf32>
        %get3A_123 = arith.index_cast %scan3A_36 : i32 to index
        %get3A_124 = arith.constant 96 : index
        %get3A_125 = tpu.vector_load %arg10[%get3A_123, %get3A_124] {strides = array<i32>} : memref<40x512xf32, #tpu.memory_space<vmem>>, vector<1x16xf32>,
        %get3A_126 = vector.shape_cast %get3A_125 : vector<1x16xf32> to vector<16xf32>
        %add3A_127 = arith.addf %get3A_122, %get3A_126 : vector<16xf32>
        %swap3A_128 = arith.index_cast %scan3A_36 : i32 to index
        %swap3A_129 = arith.constant 96 : index
        %swap3A_130 = tpu.vector_load %arg9[%swap3A_128, %swap3A_129] {strides = array<i32>} : memref<40x512xf32, #tpu.memory_space<vmem>>, vector<1x16xf32>,
        %swap3A_131 = vector.shape_cast %swap3A_130 : vector<1x16xf32> to vector<16xf32>
        %swap3A_132 = vector.shape_cast %add3A_127 : vector<16xf32> to vector<1x16xf32>
        tpu.vector_store %arg9[%swap3A_128, %swap3A_129], %swap3A_132 {strides = array<i32>} : memref<40x512xf32, #tpu.memory_space<vmem>>, vector<1x16xf32>,
        %get3A_133 = arith.index_cast %scan3A_36 : i32 to index
        %get3A_134 = arith.constant 112 : index
        %get3A_135 = tpu.vector_load %arg9[%get3A_133, %get3A_134] {strides = array<i32>} : memref<40x512xf32, #tpu.memory_space<vmem>>, vector<1x16xf32>,
        %get3A_136 = vector.shape_cast %get3A_135 : vector<1x16xf32> to vector<16xf32>
        %get3A_137 = arith.index_cast %scan3A_36 : i32 to index
        %get3A_138 = arith.constant 112 : index
        %get3A_139 = tpu.vector_load %arg10[%get3A_137, %get3A_138] {strides = array<i32>} : memref<40x512xf32, #tpu.memory_space<vmem>>, vector<1x16xf32>,
        %get3A_140 = vector.shape_cast %get3A_139 : vector<1x16xf32> to vector<16xf32>
        %add3A_141 = arith.addf %get3A_136, %get3A_140 : vector<16xf32>
        %swap3A_142 = arith.index_cast %scan3A_36 : i32 to index
        %swap3A_143 = arith.constant 112 : index
        %swap3A_144 = tpu.vector_load %arg9[%swap3A_142, %swap3A_143] {strides = array<i32>} : memref<40x512xf32, #tpu.memory_space<vmem>>, vector<1x16xf32>,
        %swap3A_145 = vector.shape_cast %swap3A_144 : vector<1x16xf32> to vector<16xf32>
        %swap3A_146 = vector.shape_cast %add3A_141 : vector<16xf32> to vector<1x16xf32>
        tpu.vector_store %arg9[%swap3A_142, %swap3A_143], %swap3A_146 {strides = array<i32>} : memref<40x512xf32, #tpu.memory_space<vmem>>, vector<1x16xf32>,
        %get3A_147 = arith.index_cast %scan3A_36 : i32 to index
        %get3A_148 = arith.constant 128 : index
        %get3A_149 = tpu.vector_load %arg9[%get3A_147, %get3A_148] {strides = array<i32>} : memref<40x512xf32, #tpu.memory_space<vmem>>, vector<1x16xf32>,
        %get3A_150 = vector.shape_cast %get3A_149 : vector<1x16xf32> to vector<16xf32>
        %get3A_151 = arith.index_cast %scan3A_36 : i32 to index
        %get3A_152 = arith.constant 128 : index
        %get3A_153 = tpu.vector_load %arg10[%get3A_151, %get3A_152] {strides = array<i32>} : memref<40x512xf32, #tpu.memory_space<vmem>>, vector<1x16xf32>,
        %get3A_154 = vector.shape_cast %get3A_153 : vector<1x16xf32> to vector<16xf32>
        %add3A_155 = arith.addf %get3A_150, %get3A_154 : vector<16xf32>
        %swap3A_156 = arith.index_cast %scan3A_36 : i32 to index
        %swap3A_157 = arith.constant 128 : index
        %swap3A_158 = tpu.vector_load %arg9[%swap3A_156, %swap3A_157] {strides = array<i32>} : memref<40x512xf32, #tpu.memory_space<vmem>>, vector<1x16xf32>,
        %swap3A_159 = vector.shape_cast %swap3A_158 : vector<1x16xf32> to vector<16xf32>
        %swap3A_160 = vector.shape_cast %add3A_155 : vector<16xf32> to vector<1x16xf32>
        tpu.vector_store %arg9[%swap3A_156, %swap3A_157], %swap3A_160 {strides = array<i32>} : memref<40x512xf32, #tpu.memory_space<vmem>>, vector<1x16xf32>,
        %get3A_161 = arith.index_cast %scan3A_36 : i32 to index
        %get3A_162 = arith.constant 144 : index
        %get3A_163 = tpu.vector_load %arg9[%get3A_161, %get3A_162] {strides = array<i32>} : memref<40x512xf32, #tpu.memory_space<vmem>>, vector<1x16xf32>,
        %get3A_164 = vector.shape_cast %get3A_163 : vector<1x16xf32> to vector<16xf32>
        %get3A_165 = arith.index_cast %scan3A_36 : i32 to index
        %get3A_166 = arith.constant 144 : index
        %get3A_167 = tpu.vector_load %arg10[%get3A_165, %get3A_166] {strides = array<i32>} : memref<40x512xf32, #tpu.memory_space<vmem>>, vector<1x16xf32>,
        %get3A_168 = vector.shape_cast %get3A_167 : vector<1x16xf32> to vector<16xf32>
        %add3A_169 = arith.addf %get3A_164, %get3A_168 : vector<16xf32>
        %swap3A_170 = arith.index_cast %scan3A_36 : i32 to index
        %swap3A_171 = arith.constant 144 : index
        %swap3A_172 = tpu.vector_load %arg9[%swap3A_170, %swap3A_171] {strides = array<i32>} : memref<40x512xf32, #tpu.memory_space<vmem>>, vector<1x16xf32>,
        %swap3A_173 = vector.shape_cast %swap3A_172 : vector<1x16xf32> to vector<16xf32>
        %swap3A_174 = vector.shape_cast %add3A_169 : vector<16xf32> to vector<1x16xf32>
        tpu.vector_store %arg9[%swap3A_170, %swap3A_171], %swap3A_174 {strides = array<i32>} : memref<40x512xf32, #tpu.memory_space<vmem>>, vector<1x16xf32>,
        %get3A_175 = arith.index_cast %scan3A_36 : i32 to index
        %get3A_176 = arith.constant 160 : index
        %get3A_177 = tpu.vector_load %arg9[%get3A_175, %get3A_176] {strides = array<i32>} : memref<40x512xf32, #tpu.memory_space<vmem>>, vector<1x16xf32>,
        %get3A_178 = vector.shape_cast %get3A_177 : vector<1x16xf32> to vector<16xf32>
        %get3A_179 = arith.index_cast %scan3A_36 : i32 to index
        %get3A_180 = arith.constant 160 : index
        %get3A_181 = tpu.vector_load %arg10[%get3A_179, %get3A_180] {strides = array<i32>} : memref<40x512xf32, #tpu.memory_space<vmem>>, vector<1x16xf32>,
        %get3A_182 = vector.shape_cast %get3A_181 : vector<1x16xf32> to vector<16xf32>
        %add3A_183 = arith.addf %get3A_178, %get3A_182 : vector<16xf32>
        %swap3A_184 = arith.index_cast %scan3A_36 : i32 to index
        %swap3A_185 = arith.constant 160 : index
        %swap3A_186 = tpu.vector_load %arg9[%swap3A_184, %swap3A_185] {strides = array<i32>} : memref<40x512xf32, #tpu.memory_space<vmem>>, vector<1x16xf32>,
        %swap3A_187 = vector.shape_cast %swap3A_186 : vector<1x16xf32> to vector<16xf32>
        %swap3A_188 = vector.shape_cast %add3A_183 : vector<16xf32> to vector<1x16xf32>
        tpu.vector_store %arg9[%swap3A_184, %swap3A_185], %swap3A_188 {strides = array<i32>} : memref<40x512xf32, #tpu.memory_space<vmem>>, vector<1x16xf32>,
        %get3A_189 = arith.index_cast %scan3A_36 : i32 to index
        %get3A_190 = arith.constant 176 : index
        %get3A_191 = tpu.vector_load %arg9[%get3A_189, %get3A_190] {strides = array<i32>} : memref<40x512xf32, #tpu.memory_space<vmem>>, vector<1x16xf32>,
        %get3A_192 = vector.shape_cast %get3A_191 : vector<1x16xf32> to vector<16xf32>
        %get3A_193 = arith.index_cast %scan3A_36 : i32 to index
        %get3A_194 = arith.constant 176 : index
        %get3A_195 = tpu.vector_load %arg10[%get3A_193, %get3A_194] {strides = array<i32>} : memref<40x512xf32, #tpu.memory_space<vmem>>, vector<1x16xf32>,
        %get3A_196 = vector.shape_cast %get3A_195 : vector<1x16xf32> to vector<16xf32>
        %add3A_197 = arith.addf %get3A_192, %get3A_196 : vector<16xf32>
        %swap3A_198 = arith.index_cast %scan3A_36 : i32 to index
        %swap3A_199 = arith.constant 176 : index
        %swap3A_200 = tpu.vector_load %arg9[%swap3A_198, %swap3A_199] {strides = array<i32>} : memref<40x512xf32, #tpu.memory_space<vmem>>, vector<1x16xf32>,
        %swap3A_201 = vector.shape_cast %swap3A_200 : vector<1x16xf32> to vector<16xf32>
        %swap3A_202 = vector.shape_cast %add3A_197 : vector<16xf32> to vector<1x16xf32>
        tpu.vector_store %arg9[%swap3A_198, %swap3A_199], %swap3A_202 {strides = array<i32>} : memref<40x512xf32, #tpu.memory_space<vmem>>, vector<1x16xf32>,
        %get3A_203 = arith.index_cast %scan3A_36 : i32 to index
        %get3A_204 = arith.constant 192 : index
        %get3A_205 = tpu.vector_load %arg9[%get3A_203, %get3A_204] {strides = array<i32>} : memref<40x512xf32, #tpu.memory_space<vmem>>, vector<1x16xf32>,
        %get3A_206 = vector.shape_cast %get3A_205 : vector<1x16xf32> to vector<16xf32>
        %get3A_207 = arith.index_cast %scan3A_36 : i32 to index
        %get3A_208 = arith.constant 192 : index
        %get3A_209 = tpu.vector_load %arg10[%get3A_207, %get3A_208] {strides = array<i32>} : memref<40x512xf32, #tpu.memory_space<vmem>>, vector<1x16xf32>,
        %get3A_210 = vector.shape_cast %get3A_209 : vector<1x16xf32> to vector<16xf32>
        %add3A_211 = arith.addf %get3A_206, %get3A_210 : vector<16xf32>
        %swap3A_212 = arith.index_cast %scan3A_36 : i32 to index
        %swap3A_213 = arith.constant 192 : index
        %swap3A_214 = tpu.vector_load %arg9[%swap3A_212, %swap3A_213] {strides = array<i32>} : memref<40x512xf32, #tpu.memory_space<vmem>>, vector<1x16xf32>,
        %swap3A_215 = vector.shape_cast %swap3A_214 : vector<1x16xf32> to vector<16xf32>
        %swap3A_216 = vector.shape_cast %add3A_211 : vector<16xf32> to vector<1x16xf32>
        tpu.vector_store %arg9[%swap3A_212, %swap3A_213], %swap3A_216 {strides = array<i32>} : memref<40x512xf32, #tpu.memory_space<vmem>>, vector<1x16xf32>,
        %get3A_217 = arith.index_cast %scan3A_36 : i32 to index
        %get3A_218 = arith.constant 208 : index
        %get3A_219 = tpu.vector_load %arg9[%get3A_217, %get3A_218] {strides = array<i32>} : memref<40x512xf32, #tpu.memory_space<vmem>>, vector<1x16xf32>,
        %get3A_220 = vector.shape_cast %get3A_219 : vector<1x16xf32> to vector<16xf32>
        %get3A_221 = arith.index_cast %scan3A_36 : i32 to index
        %get3A_222 = arith.constant 208 : index
        %get3A_223 = tpu.vector_load %arg10[%get3A_221, %get3A_222] {strides = array<i32>} : memref<40x512xf32, #tpu.memory_space<vmem>>, vector<1x16xf32>,
        %get3A_224 = vector.shape_cast %get3A_223 : vector<1x16xf32> to vector<16xf32>
        %add3A_225 = arith.addf %get3A_220, %get3A_224 : vector<16xf32>
        %swap3A_226 = arith.index_cast %scan3A_36 : i32 to index
        %swap3A_227 = arith.constant 208 : index
        %swap3A_228 = tpu.vector_load %arg9[%swap3A_226, %swap3A_227] {strides = array<i32>} : memref<40x512xf32, #tpu.memory_space<vmem>>, vector<1x16xf32>,
        %swap3A_229 = vector.shape_cast %swap3A_228 : vector<1x16xf32> to vector<16xf32>
        %swap3A_230 = vector.shape_cast %add3A_225 : vector<16xf32> to vector<1x16xf32>
        tpu.vector_store %arg9[%swap3A_226, %swap3A_227], %swap3A_230 {strides = array<i32>} : memref<40x512xf32, #tpu.memory_space<vmem>>, vector<1x16xf32>,
        %get3A_231 = arith.index_cast %scan3A_36 : i32 to index
        %get3A_232 = arith.constant 224 : index
        %get3A_233 = tpu.vector_load %arg9[%get3A_231, %get3A_232] {strides = array<i32>} : memref<40x512xf32, #tpu.memory_space<vmem>>, vector<1x16xf32>,
        %get3A_234 = vector.shape_cast %get3A_233 : vector<1x16xf32> to vector<16xf32>
        %get3A_235 = arith.index_cast %scan3A_36 : i32 to index
        %get3A_236 = arith.constant 224 : index
        %get3A_237 = tpu.vector_load %arg10[%get3A_235, %get3A_236] {strides = array<i32>} : memref<40x512xf32, #tpu.memory_space<vmem>>, vector<1x16xf32>,
        %get3A_238 = vector.shape_cast %get3A_237 : vector<1x16xf32> to vector<16xf32>
        %add3A_239 = arith.addf %get3A_234, %get3A_238 : vector<16xf32>
        %swap3A_240 = arith.index_cast %scan3A_36 : i32 to index
        %swap3A_241 = arith.constant 224 : index
        %swap3A_242 = tpu.vector_load %arg9[%swap3A_240, %swap3A_241] {strides = array<i32>} : memref<40x512xf32, #tpu.memory_space<vmem>>, vector<1x16xf32>,
        %swap3A_243 = vector.shape_cast %swap3A_242 : vector<1x16xf32> to vector<16xf32>
        %swap3A_244 = vector.shape_cast %add3A_239 : vector<16xf32> to vector<1x16xf32>
        tpu.vector_store %arg9[%swap3A_240, %swap3A_241], %swap3A_244 {strides = array<i32>} : memref<40x512xf32, #tpu.memory_space<vmem>>, vector<1x16xf32>,
        %get3A_245 = arith.index_cast %scan3A_36 : i32 to index
        %get3A_246 = arith.constant 240 : index
        %get3A_247 = tpu.vector_load %arg9[%get3A_245, %get3A_246] {strides = array<i32>} : memref<40x512xf32, #tpu.memory_space<vmem>>, vector<1x16xf32>,
        %get3A_248 = vector.shape_cast %get3A_247 : vector<1x16xf32> to vector<16xf32>
        %get3A_249 = arith.index_cast %scan3A_36 : i32 to index
        %get3A_250 = arith.constant 240 : index
        %get3A_251 = tpu.vector_load %arg10[%get3A_249, %get3A_250] {strides = array<i32>} : memref<40x512xf32, #tpu.memory_space<vmem>>, vector<1x16xf32>,
        %get3A_252 = vector.shape_cast %get3A_251 : vector<1x16xf32> to vector<16xf32>
        %add3A_253 = arith.addf %get3A_248, %get3A_252 : vector<16xf32>
        %swap3A_254 = arith.index_cast %scan3A_36 : i32 to index
        %swap3A_255 = arith.constant 240 : index
        %swap3A_256 = tpu.vector_load %arg9[%swap3A_254, %swap3A_255] {strides = array<i32>} : memref<40x512xf32, #tpu.memory_space<vmem>>, vector<1x16xf32>,
        %swap3A_257 = vector.shape_cast %swap3A_256 : vector<1x16xf32> to vector<16xf32>
        %swap3A_258 = vector.shape_cast %add3A_253 : vector<16xf32> to vector<1x16xf32>
        tpu.vector_store %arg9[%swap3A_254, %swap3A_255], %swap3A_258 {strides = array<i32>} : memref<40x512xf32, #tpu.memory_space<vmem>>, vector<1x16xf32>,
        %get3A_259 = arith.index_cast %scan3A_36 : i32 to index
        %get3A_260 = arith.constant 256 : index
        %get3A_261 = tpu.vector_load %arg9[%get3A_259, %get3A_260] {strides = array<i32>} : memref<40x512xf32, #tpu.memory_space<vmem>>, vector<1x16xf32>,
        %get3A_262 = vector.shape_cast %get3A_261 : vector<1x16xf32> to vector<16xf32>
        %get3A_263 = arith.index_cast %scan3A_36 : i32 to index
        %get3A_264 = arith.constant 256 : index
        %get3A_265 = tpu.vector_load %arg10[%get3A_263, %get3A_264] {strides = array<i32>} : memref<40x512xf32, #tpu.memory_space<vmem>>, vector<1x16xf32>,
        %get3A_266 = vector.shape_cast %get3A_265 : vector<1x16xf32> to vector<16xf32>
        %add3A_267 = arith.addf %get3A_262, %get3A_266 : vector<16xf32>
        %swap3A_268 = arith.index_cast %scan3A_36 : i32 to index
        %swap3A_269 = arith.constant 256 : index
        %swap3A_270 = tpu.vector_load %arg9[%swap3A_268, %swap3A_269] {strides = array<i32>} : memref<40x512xf32, #tpu.memory_space<vmem>>, vector<1x16xf32>,
        %swap3A_271 = vector.shape_cast %swap3A_270 : vector<1x16xf32> to vector<16xf32>
        %swap3A_272 = vector.shape_cast %add3A_267 : vector<16xf32> to vector<1x16xf32>
        tpu.vector_store %arg9[%swap3A_268, %swap3A_269], %swap3A_272 {strides = array<i32>} : memref<40x512xf32, #tpu.memory_space<vmem>>, vector<1x16xf32>,
        %get3A_273 = arith.index_cast %scan3A_36 : i32 to index
        %get3A_274 = arith.constant 272 : index
        %get3A_275 = tpu.vector_load %arg9[%get3A_273, %get3A_274] {strides = array<i32>} : memref<40x512xf32, #tpu.memory_space<vmem>>, vector<1x16xf32>,
        %get3A_276 = vector.shape_cast %get3A_275 : vector<1x16xf32> to vector<16xf32>
        %get3A_277 = arith.index_cast %scan3A_36 : i32 to index
        %get3A_278 = arith.constant 272 : index
        %get3A_279 = tpu.vector_load %arg10[%get3A_277, %get3A_278] {strides = array<i32>} : memref<40x512xf32, #tpu.memory_space<vmem>>, vector<1x16xf32>,
        %get3A_280 = vector.shape_cast %get3A_279 : vector<1x16xf32> to vector<16xf32>
        %add3A_281 = arith.addf %get3A_276, %get3A_280 : vector<16xf32>
        %swap3A_282 = arith.index_cast %scan3A_36 : i32 to index
        %swap3A_283 = arith.constant 272 : index
        %swap3A_284 = tpu.vector_load %arg9[%swap3A_282, %swap3A_283] {strides = array<i32>} : memref<40x512xf32, #tpu.memory_space<vmem>>, vector<1x16xf32>,
        %swap3A_285 = vector.shape_cast %swap3A_284 : vector<1x16xf32> to vector<16xf32>
        %swap3A_286 = vector.shape_cast %add3A_281 : vector<16xf32> to vector<1x16xf32>
        tpu.vector_store %arg9[%swap3A_282, %swap3A_283], %swap3A_286 {strides = array<i32>} : memref<40x512xf32, #tpu.memory_space<vmem>>, vector<1x16xf32>,
        %get3A_287 = arith.index_cast %scan3A_36 : i32 to index
        %get3A_288 = arith.constant 288 : index
        %get3A_289 = tpu.vector_load %arg9[%get3A_287, %get3A_288] {strides = array<i32>} : memref<40x512xf32, #tpu.memory_space<vmem>>, vector<1x16xf32>,
        %get3A_290 = vector.shape_cast %get3A_289 : vector<1x16xf32> to vector<16xf32>
        %get3A_291 = arith.index_cast %scan3A_36 : i32 to index
        %get3A_292 = arith.constant 288 : index
        %get3A_293 = tpu.vector_load %arg10[%get3A_291, %get3A_292] {strides = array<i32>} : memref<40x512xf32, #tpu.memory_space<vmem>>, vector<1x16xf32>,
        %get3A_294 = vector.shape_cast %get3A_293 : vector<1x16xf32> to vector<16xf32>
        %add3A_295 = arith.addf %get3A_290, %get3A_294 : vector<16xf32>
        %swap3A_296 = arith.index_cast %scan3A_36 : i32 to index
        %swap3A_297 = arith.constant 288 : index
        %swap3A_298 = tpu.vector_load %arg9[%swap3A_296, %swap3A_297] {strides = array<i32>} : memref<40x512xf32, #tpu.memory_space<vmem>>, vector<1x16xf32>,
        %swap3A_299 = vector.shape_cast %swap3A_298 : vector<1x16xf32> to vector<16xf32>
        %swap3A_300 = vector.shape_cast %add3A_295 : vector<16xf32> to vector<1x16xf32>
        tpu.vector_store %arg9[%swap3A_296, %swap3A_297], %swap3A_300 {strides = array<i32>} : memref<40x512xf32, #tpu.memory_space<vmem>>, vector<1x16xf32>,
        %get3A_301 = arith.index_cast %scan3A_36 : i32 to index
        %get3A_302 = arith.constant 304 : index
        %get3A_303 = tpu.vector_load %arg9[%get3A_301, %get3A_302] {strides = array<i32>} : memref<40x512xf32, #tpu.memory_space<vmem>>, vector<1x16xf32>,
        %get3A_304 = vector.shape_cast %get3A_303 : vector<1x16xf32> to vector<16xf32>
        %get3A_305 = arith.index_cast %scan3A_36 : i32 to index
        %get3A_306 = arith.constant 304 : index
        %get3A_307 = tpu.vector_load %arg10[%get3A_305, %get3A_306] {strides = array<i32>} : memref<40x512xf32, #tpu.memory_space<vmem>>, vector<1x16xf32>,
        %get3A_308 = vector.shape_cast %get3A_307 : vector<1x16xf32> to vector<16xf32>
        %add3A_309 = arith.addf %get3A_304, %get3A_308 : vector<16xf32>
        %swap3A_310 = arith.index_cast %scan3A_36 : i32 to index
        %swap3A_311 = arith.constant 304 : index
        %swap3A_312 = tpu.vector_load %arg9[%swap3A_310, %swap3A_311] {strides = array<i32>} : memref<40x512xf32, #tpu.memory_space<vmem>>, vector<1x16xf32>,
        %swap3A_313 = vector.shape_cast %swap3A_312 : vector<1x16xf32> to vector<16xf32>
        %swap3A_314 = vector.shape_cast %add3A_309 : vector<16xf32> to vector<1x16xf32>
        tpu.vector_store %arg9[%swap3A_310, %swap3A_311], %swap3A_314 {strides = array<i32>} : memref<40x512xf32, #tpu.memory_space<vmem>>, vector<1x16xf32>,
        %get3A_315 = arith.index_cast %scan3A_36 : i32 to index
        %get3A_316 = arith.constant 320 : index
        %get3A_317 = tpu.vector_load %arg9[%get3A_315, %get3A_316] {strides = array<i32>} : memref<40x512xf32, #tpu.memory_space<vmem>>, vector<1x16xf32>,
        %get3A_318 = vector.shape_cast %get3A_317 : vector<1x16xf32> to vector<16xf32>
        %get3A_319 = arith.index_cast %scan3A_36 : i32 to index
        %get3A_320 = arith.constant 320 : index
        %get3A_321 = tpu.vector_load %arg10[%get3A_319, %get3A_320] {strides = array<i32>} : memref<40x512xf32, #tpu.memory_space<vmem>>, vector<1x16xf32>,
        %get3A_322 = vector.shape_cast %get3A_321 : vector<1x16xf32> to vector<16xf32>
        %add3A_323 = arith.addf %get3A_318, %get3A_322 : vector<16xf32>
        %swap3A_324 = arith.index_cast %scan3A_36 : i32 to index
        %swap3A_325 = arith.constant 320 : index
        %swap3A_326 = tpu.vector_load %arg9[%swap3A_324, %swap3A_325] {strides = array<i32>} : memref<40x512xf32, #tpu.memory_space<vmem>>, vector<1x16xf32>,
        %swap3A_327 = vector.shape_cast %swap3A_326 : vector<1x16xf32> to vector<16xf32>
        %swap3A_328 = vector.shape_cast %add3A_323 : vector<16xf32> to vector<1x16xf32>
        tpu.vector_store %arg9[%swap3A_324, %swap3A_325], %swap3A_328 {strides = array<i32>} : memref<40x512xf32, #tpu.memory_space<vmem>>, vector<1x16xf32>,
        %get3A_329 = arith.index_cast %scan3A_36 : i32 to index
        %get3A_330 = arith.constant 336 : index
        %get3A_331 = tpu.vector_load %arg9[%get3A_329, %get3A_330] {strides = array<i32>} : memref<40x512xf32, #tpu.memory_space<vmem>>, vector<1x16xf32>,
        %get3A_332 = vector.shape_cast %get3A_331 : vector<1x16xf32> to vector<16xf32>
        %get3A_333 = arith.index_cast %scan3A_36 : i32 to index
        %get3A_334 = arith.constant 336 : index
        %get3A_335 = tpu.vector_load %arg10[%get3A_333, %get3A_334] {strides = array<i32>} : memref<40x512xf32, #tpu.memory_space<vmem>>, vector<1x16xf32>,
        %get3A_336 = vector.shape_cast %get3A_335 : vector<1x16xf32> to vector<16xf32>
        %add3A_337 = arith.addf %get3A_332, %get3A_336 : vector<16xf32>
        %swap3A_338 = arith.index_cast %scan3A_36 : i32 to index
        %swap3A_339 = arith.constant 336 : index
        %swap3A_340 = tpu.vector_load %arg9[%swap3A_338, %swap3A_339] {strides = array<i32>} : memref<40x512xf32, #tpu.memory_space<vmem>>, vector<1x16xf32>,
        %swap3A_341 = vector.shape_cast %swap3A_340 : vector<1x16xf32> to vector<16xf32>
        %swap3A_342 = vector.shape_cast %add3A_337 : vector<16xf32> to vector<1x16xf32>
        tpu.vector_store %arg9[%swap3A_338, %swap3A_339], %swap3A_342 {strides = array<i32>} : memref<40x512xf32, #tpu.memory_space<vmem>>, vector<1x16xf32>,
        %get3A_343 = arith.index_cast %scan3A_36 : i32 to index
        %get3A_344 = arith.constant 352 : index
        %get3A_345 = tpu.vector_load %arg9[%get3A_343, %get3A_344] {strides = array<i32>} : memref<40x512xf32, #tpu.memory_space<vmem>>, vector<1x16xf32>,
        %get3A_346 = vector.shape_cast %get3A_345 : vector<1x16xf32> to vector<16xf32>
        %get3A_347 = arith.index_cast %scan3A_36 : i32 to index
        %get3A_348 = arith.constant 352 : index
        %get3A_349 = tpu.vector_load %arg10[%get3A_347, %get3A_348] {strides = array<i32>} : memref<40x512xf32, #tpu.memory_space<vmem>>, vector<1x16xf32>,
        %get3A_350 = vector.shape_cast %get3A_349 : vector<1x16xf32> to vector<16xf32>
        %add3A_351 = arith.addf %get3A_346, %get3A_350 : vector<16xf32>
        %swap3A_352 = arith.index_cast %scan3A_36 : i32 to index
        %swap3A_353 = arith.constant 352 : index
        %swap3A_354 = tpu.vector_load %arg9[%swap3A_352, %swap3A_353] {strides = array<i32>} : memref<40x512xf32, #tpu.memory_space<vmem>>, vector<1x16xf32>,
        %swap3A_355 = vector.shape_cast %swap3A_354 : vector<1x16xf32> to vector<16xf32>
        %swap3A_356 = vector.shape_cast %add3A_351 : vector<16xf32> to vector<1x16xf32>
        tpu.vector_store %arg9[%swap3A_352, %swap3A_353], %swap3A_356 {strides = array<i32>} : memref<40x512xf32, #tpu.memory_space<vmem>>, vector<1x16xf32>,
        %get3A_357 = arith.index_cast %scan3A_36 : i32 to index
        %get3A_358 = arith.constant 368 : index
        %get3A_359 = tpu.vector_load %arg9[%get3A_357, %get3A_358] {strides = array<i32>} : memref<40x512xf32, #tpu.memory_space<vmem>>, vector<1x16xf32>,
        %get3A_360 = vector.shape_cast %get3A_359 : vector<1x16xf32> to vector<16xf32>
        %get3A_361 = arith.index_cast %scan3A_36 : i32 to index
        %get3A_362 = arith.constant 368 : index
        %get3A_363 = tpu.vector_load %arg10[%get3A_361, %get3A_362] {strides = array<i32>} : memref<40x512xf32, #tpu.memory_space<vmem>>, vector<1x16xf32>,
        %get3A_364 = vector.shape_cast %get3A_363 : vector<1x16xf32> to vector<16xf32>
        %add3A_365 = arith.addf %get3A_360, %get3A_364 : vector<16xf32>
        %swap3A_366 = arith.index_cast %scan3A_36 : i32 to index
        %swap3A_367 = arith.constant 368 : index
        %swap3A_368 = tpu.vector_load %arg9[%swap3A_366, %swap3A_367] {strides = array<i32>} : memref<40x512xf32, #tpu.memory_space<vmem>>, vector<1x16xf32>,
        %swap3A_369 = vector.shape_cast %swap3A_368 : vector<1x16xf32> to vector<16xf32>
        %swap3A_370 = vector.shape_cast %add3A_365 : vector<16xf32> to vector<1x16xf32>
        tpu.vector_store %arg9[%swap3A_366, %swap3A_367], %swap3A_370 {strides = array<i32>} : memref<40x512xf32, #tpu.memory_space<vmem>>, vector<1x16xf32>,
        %get3A_371 = arith.index_cast %scan3A_36 : i32 to index
        %get3A_372 = arith.constant 384 : index
        %get3A_373 = tpu.vector_load %arg9[%get3A_371, %get3A_372] {strides = array<i32>} : memref<40x512xf32, #tpu.memory_space<vmem>>, vector<1x16xf32>,
        %get3A_374 = vector.shape_cast %get3A_373 : vector<1x16xf32> to vector<16xf32>
        %get3A_375 = arith.index_cast %scan3A_36 : i32 to index
        %get3A_376 = arith.constant 384 : index
        %get3A_377 = tpu.vector_load %arg10[%get3A_375, %get3A_376] {strides = array<i32>} : memref<40x512xf32, #tpu.memory_space<vmem>>, vector<1x16xf32>,
        %get3A_378 = vector.shape_cast %get3A_377 : vector<1x16xf32> to vector<16xf32>
        %add3A_379 = arith.addf %get3A_374, %get3A_378 : vector<16xf32>
        %swap3A_380 = arith.index_cast %scan3A_36 : i32 to index
        %swap3A_381 = arith.constant 384 : index
        %swap3A_382 = tpu.vector_load %arg9[%swap3A_380, %swap3A_381] {strides = array<i32>} : memref<40x512xf32, #tpu.memory_space<vmem>>, vector<1x16xf32>,
        %swap3A_383 = vector.shape_cast %swap3A_382 : vector<1x16xf32> to vector<16xf32>
        %swap3A_384 = vector.shape_cast %add3A_379 : vector<16xf32> to vector<1x16xf32>
        tpu.vector_store %arg9[%swap3A_380, %swap3A_381], %swap3A_384 {strides = array<i32>} : memref<40x512xf32, #tpu.memory_space<vmem>>, vector<1x16xf32>,
        %get3A_385 = arith.index_cast %scan3A_36 : i32 to index
        %get3A_386 = arith.constant 400 : index
        %get3A_387 = tpu.vector_load %arg9[%get3A_385, %get3A_386] {strides = array<i32>} : memref<40x512xf32, #tpu.memory_space<vmem>>, vector<1x16xf32>,
        %get3A_388 = vector.shape_cast %get3A_387 : vector<1x16xf32> to vector<16xf32>
        %get3A_389 = arith.index_cast %scan3A_36 : i32 to index
        %get3A_390 = arith.constant 400 : index
        %get3A_391 = tpu.vector_load %arg10[%get3A_389, %get3A_390] {strides = array<i32>} : memref<40x512xf32, #tpu.memory_space<vmem>>, vector<1x16xf32>,
        %get3A_392 = vector.shape_cast %get3A_391 : vector<1x16xf32> to vector<16xf32>
        %add3A_393 = arith.addf %get3A_388, %get3A_392 : vector<16xf32>
        %swap3A_394 = arith.index_cast %scan3A_36 : i32 to index
        %swap3A_395 = arith.constant 400 : index
        %swap3A_396 = tpu.vector_load %arg9[%swap3A_394, %swap3A_395] {strides = array<i32>} : memref<40x512xf32, #tpu.memory_space<vmem>>, vector<1x16xf32>,
        %swap3A_397 = vector.shape_cast %swap3A_396 : vector<1x16xf32> to vector<16xf32>
        %swap3A_398 = vector.shape_cast %add3A_393 : vector<16xf32> to vector<1x16xf32>
        tpu.vector_store %arg9[%swap3A_394, %swap3A_395], %swap3A_398 {strides = array<i32>} : memref<40x512xf32, #tpu.memory_space<vmem>>, vector<1x16xf32>,
        %get3A_399 = arith.index_cast %scan3A_36 : i32 to index
        %get3A_400 = arith.constant 416 : index
        %get3A_401 = tpu.vector_load %arg9[%get3A_399, %get3A_400] {strides = array<i32>} : memref<40x512xf32, #tpu.memory_space<vmem>>, vector<1x16xf32>,
        %get3A_402 = vector.shape_cast %get3A_401 : vector<1x16xf32> to vector<16xf32>
        %get3A_403 = arith.index_cast %scan3A_36 : i32 to index
        %get3A_404 = arith.constant 416 : index
        %get3A_405 = tpu.vector_load %arg10[%get3A_403, %get3A_404] {strides = array<i32>} : memref<40x512xf32, #tpu.memory_space<vmem>>, vector<1x16xf32>,
        %get3A_406 = vector.shape_cast %get3A_405 : vector<1x16xf32> to vector<16xf32>
        %add3A_407 = arith.addf %get3A_402, %get3A_406 : vector<16xf32>
        %swap3A_408 = arith.index_cast %scan3A_36 : i32 to index
        %swap3A_409 = arith.constant 416 : index
        %swap3A_410 = tpu.vector_load %arg9[%swap3A_408, %swap3A_409] {strides = array<i32>} : memref<40x512xf32, #tpu.memory_space<vmem>>, vector<1x16xf32>,
        %swap3A_411 = vector.shape_cast %swap3A_410 : vector<1x16xf32> to vector<16xf32>
        %swap3A_412 = vector.shape_cast %add3A_407 : vector<16xf32> to vector<1x16xf32>
        tpu.vector_store %arg9[%swap3A_408, %swap3A_409], %swap3A_412 {strides = array<i32>} : memref<40x512xf32, #tpu.memory_space<vmem>>, vector<1x16xf32>,
        %get3A_413 = arith.index_cast %scan3A_36 : i32 to index
        %get3A_414 = arith.constant 432 : index
        %get3A_415 = tpu.vector_load %arg9[%get3A_413, %get3A_414] {strides = array<i32>} : memref<40x512xf32, #tpu.memory_space<vmem>>, vector<1x16xf32>,
        %get3A_416 = vector.shape_cast %get3A_415 : vector<1x16xf32> to vector<16xf32>
        %get3A_417 = arith.index_cast %scan3A_36 : i32 to index
        %get3A_418 = arith.constant 432 : index
        %get3A_419 = tpu.vector_load %arg10[%get3A_417, %get3A_418] {strides = array<i32>} : memref<40x512xf32, #tpu.memory_space<vmem>>, vector<1x16xf32>,
        %get3A_420 = vector.shape_cast %get3A_419 : vector<1x16xf32> to vector<16xf32>
        %add3A_421 = arith.addf %get3A_416, %get3A_420 : vector<16xf32>
        %swap3A_422 = arith.index_cast %scan3A_36 : i32 to index
        %swap3A_423 = arith.constant 432 : index
        %swap3A_424 = tpu.vector_load %arg9[%swap3A_422, %swap3A_423] {strides = array<i32>} : memref<40x512xf32, #tpu.memory_space<vmem>>, vector<1x16xf32>,
        %swap3A_425 = vector.shape_cast %swap3A_424 : vector<1x16xf32> to vector<16xf32>
        %swap3A_426 = vector.shape_cast %add3A_421 : vector<16xf32> to vector<1x16xf32>
        tpu.vector_store %arg9[%swap3A_422, %swap3A_423], %swap3A_426 {strides = array<i32>} : memref<40x512xf32, #tpu.memory_space<vmem>>, vector<1x16xf32>,
        %get3A_427 = arith.index_cast %scan3A_36 : i32 to index
        %get3A_428 = arith.constant 448 : index
        %get3A_429 = tpu.vector_load %arg9[%get3A_427, %get3A_428] {strides = array<i32>} : memref<40x512xf32, #tpu.memory_space<vmem>>, vector<1x16xf32>,
        %get3A_430 = vector.shape_cast %get3A_429 : vector<1x16xf32> to vector<16xf32>
        %get3A_431 = arith.index_cast %scan3A_36 : i32 to index
        %get3A_432 = arith.constant 448 : index
        %get3A_433 = tpu.vector_load %arg10[%get3A_431, %get3A_432] {strides = array<i32>} : memref<40x512xf32, #tpu.memory_space<vmem>>, vector<1x16xf32>,
        %get3A_434 = vector.shape_cast %get3A_433 : vector<1x16xf32> to vector<16xf32>
        %add3A_435 = arith.addf %get3A_430, %get3A_434 : vector<16xf32>
        %swap3A_436 = arith.index_cast %scan3A_36 : i32 to index
        %swap3A_437 = arith.constant 448 : index
        %swap3A_438 = tpu.vector_load %arg9[%swap3A_436, %swap3A_437] {strides = array<i32>} : memref<40x512xf32, #tpu.memory_space<vmem>>, vector<1x16xf32>,
        %swap3A_439 = vector.shape_cast %swap3A_438 : vector<1x16xf32> to vector<16xf32>
        %swap3A_440 = vector.shape_cast %add3A_435 : vector<16xf32> to vector<1x16xf32>
        tpu.vector_store %arg9[%swap3A_436, %swap3A_437], %swap3A_440 {strides = array<i32>} : memref<40x512xf32, #tpu.memory_space<vmem>>, vector<1x16xf32>,
        %get3A_441 = arith.index_cast %scan3A_36 : i32 to index
        %get3A_442 = arith.constant 464 : index
        %get3A_443 = tpu.vector_load %arg9[%get3A_441, %get3A_442] {strides = array<i32>} : memref<40x512xf32, #tpu.memory_space<vmem>>, vector<1x16xf32>,
        %get3A_444 = vector.shape_cast %get3A_443 : vector<1x16xf32> to vector<16xf32>
        %get3A_445 = arith.index_cast %scan3A_36 : i32 to index
        %get3A_446 = arith.constant 464 : index
        %get3A_447 = tpu.vector_load %arg10[%get3A_445, %get3A_446] {strides = array<i32>} : memref<40x512xf32, #tpu.memory_space<vmem>>, vector<1x16xf32>,
        %get3A_448 = vector.shape_cast %get3A_447 : vector<1x16xf32> to vector<16xf32>
        %add3A_449 = arith.addf %get3A_444, %get3A_448 : vector<16xf32>
        %swap3A_450 = arith.index_cast %scan3A_36 : i32 to index
        %swap3A_451 = arith.constant 464 : index
        %swap3A_452 = tpu.vector_load %arg9[%swap3A_450, %swap3A_451] {strides = array<i32>} : memref<40x512xf32, #tpu.memory_space<vmem>>, vector<1x16xf32>,
        %swap3A_453 = vector.shape_cast %swap3A_452 : vector<1x16xf32> to vector<16xf32>
        %swap3A_454 = vector.shape_cast %add3A_449 : vector<16xf32> to vector<1x16xf32>
        tpu.vector_store %arg9[%swap3A_450, %swap3A_451], %swap3A_454 {strides = array<i32>} : memref<40x512xf32, #tpu.memory_space<vmem>>, vector<1x16xf32>,
        %get3A_455 = arith.index_cast %scan3A_36 : i32 to index
        %get3A_456 = arith.constant 480 : index
        %get3A_457 = tpu.vector_load %arg9[%get3A_455, %get3A_456] {strides = array<i32>} : memref<40x512xf32, #tpu.memory_space<vmem>>, vector<1x16xf32>,
        %get3A_458 = vector.shape_cast %get3A_457 : vector<1x16xf32> to vector<16xf32>
        %get3A_459 = arith.index_cast %scan3A_36 : i32 to index
        %get3A_460 = arith.constant 480 : index
        %get3A_461 = tpu.vector_load %arg10[%get3A_459, %get3A_460] {strides = array<i32>} : memref<40x512xf32, #tpu.memory_space<vmem>>, vector<1x16xf32>,
        %get3A_462 = vector.shape_cast %get3A_461 : vector<1x16xf32> to vector<16xf32>
        %add3A_463 = arith.addf %get3A_458, %get3A_462 : vector<16xf32>
        %swap3A_464 = arith.index_cast %scan3A_36 : i32 to index
        %swap3A_465 = arith.constant 480 : index
        %swap3A_466 = tpu.vector_load %arg9[%swap3A_464, %swap3A_465] {strides = array<i32>} : memref<40x512xf32, #tpu.memory_space<vmem>>, vector<1x16xf32>,
        %swap3A_467 = vector.shape_cast %swap3A_466 : vector<1x16xf32> to vector<16xf32>
        %swap3A_468 = vector.shape_cast %add3A_463 : vector<16xf32> to vector<1x16xf32>
        tpu.vector_store %arg9[%swap3A_464, %swap3A_465], %swap3A_468 {strides = array<i32>} : memref<40x512xf32, #tpu.memory_space<vmem>>, vector<1x16xf32>,
        %get3A_469 = arith.index_cast %scan3A_36 : i32 to index
        %get3A_470 = arith.constant 496 : index
        %get3A_471 = tpu.vector_load %arg9[%get3A_469, %get3A_470] {strides = array<i32>} : memref<40x512xf32, #tpu.memory_space<vmem>>, vector<1x16xf32>,
        %get3A_472 = vector.shape_cast %get3A_471 : vector<1x16xf32> to vector<16xf32>
        %get3A_473 = arith.index_cast %scan3A_36 : i32 to index
        %get3A_474 = arith.constant 496 : index
        %get3A_475 = tpu.vector_load %arg10[%get3A_473, %get3A_474] {strides = array<i32>} : memref<40x512xf32, #tpu.memory_space<vmem>>, vector<1x16xf32>,
        %get3A_476 = vector.shape_cast %get3A_475 : vector<1x16xf32> to vector<16xf32>
        %add3A_477 = arith.addf %get3A_472, %get3A_476 : vector<16xf32>
        %swap3A_478 = arith.index_cast %scan3A_36 : i32 to index
        %swap3A_479 = arith.constant 496 : index
        %swap3A_480 = tpu.vector_load %arg9[%swap3A_478, %swap3A_479] {strides = array<i32>} : memref<40x512xf32, #tpu.memory_space<vmem>>, vector<1x16xf32>,
        %swap3A_481 = vector.shape_cast %swap3A_480 : vector<1x16xf32> to vector<16xf32>
        %swap3A_482 = vector.shape_cast %add3A_477 : vector<16xf32> to vector<1x16xf32>
        tpu.vector_store %arg9[%swap3A_478, %swap3A_479], %swap3A_482 {strides = array<i32>} : memref<40x512xf32, #tpu.memory_space<vmem>>, vector<1x16xf32>,
      }
      %scan3A_35 = arith.constant 40 : i32
      "tpu.region"() ({
        %run_scoped3A = tpu.sem_alloc : memref<!tpu.dma_semaphore, #tpu.memory_space<semaphore_mem>>
        %dma_start3A_36 = arith.constant 0 : i32
        %dma_start3A_37 = tpu.memref_slice %arg6[%add3A_11, %dma_start3A_36] : memref<160000x512xf32, #tpu.memory_space<hbm>> -> memref<40x512xf32, #tpu.memory_space<hbm>>
        %dma_start3A_38 = arith.constant 0 : i32
        %dma_start3A_39 = tpu.memref_slice %arg6[%add3A_11, %dma_start3A_38] : memref<160000x512xf32, #tpu.memory_space<hbm>> -> memref<40x512xf32, #tpu.memory_space<hbm>>
        tpu.enqueue_dma source(%arg9 : memref<40x512xf32, #tpu.memory_space<vmem>>) target(%dma_start3A_39 : memref<40x512xf32, #tpu.memory_space<hbm>>) target_semaphore(%run_scoped3A : memref<!tpu.dma_semaphore, #tpu.memory_space<semaphore_mem>>)
        %dma_wait3A_40 = arith.constant 0 : i32
        %dma_wait3A_41 = tpu.memref_slice %arg6[%add3A_11, %dma_wait3A_40] : memref<160000x512xf32, #tpu.memory_space<hbm>> -> memref<40x512xf32, #tpu.memory_space<hbm>>
        %dma_wait3A_42 = arith.constant 0 : i32
        %dma_wait3A_43 = tpu.memref_slice %arg6[%add3A_11, %dma_wait3A_42] : memref<160000x512xf32, #tpu.memory_space<hbm>> -> memref<40x512xf32, #tpu.memory_space<hbm>>
        tpu.wait_dma2 semaphore(%run_scoped3A : memref<!tpu.dma_semaphore, #tpu.memory_space<semaphore_mem>>) src(%arg9 : memref<40x512xf32, #tpu.memory_space<vmem>>) dst(%dma_wait3A_43 : memref<40x512xf32, #tpu.memory_space<hbm>>)
        tpu.yield
      }) : () -> ()
    }
    %scan3A_7 = arith.constant 125 : i32
    return
  }
}

#map = affine_map<(d0, d1) -> (0, 0)>
#map1 = affine_map<(d0, d1) -> (0)>
module attributes {stable_mosaic.version = 14 : i64} {
  func.func @_sc_segsum_body(%arg0: i32, %arg1: i32, %arg2: memref<160000x256xf32, #tpu.memory_space<hbm>>, %arg3: memref<160000xi32, #tpu.memory_space<hbm>>, %arg4: memref<10000x256xf32, #tpu.memory_space<hbm>>, %arg5: memref<10000x128xf32, #tpu.memory_space<vmem_shared>>, %arg6: memref<80xi32, #tpu.memory_space<vmem>>, %arg7: memref<80x128xf32, #tpu.memory_space<vmem>>, %arg8: memref<200x128xf32, #tpu.memory_space<vmem>>) attributes {dimension_semantics = [#tpu.dimension_semantics<core_parallel>, #tpu.dimension_semantics<subcore_parallel>], iteration_bounds = array<i64: 2, 16>, scalar_prefetch = 0 : i64, scratch_operands = 4 : i64, tpu.core_type = #tpu.core_type<sc_vector_subcore>, window_params = [{transform_indices = #map}, {transform_indices = #map1}, {transform_indices = #map}]} {
    %scan3A = arith.constant 0 : i32
    %scan3A_0 = arith.constant 0 : i32
    %scan3A_1 = arith.constant 200 : i32
    %scan3A_2 = arith.addi %scan3A_0, %scan3A_1 : i32
    %scan3A_3 = arith.constant 1 : i32
    scf.for %scan3A_25 = %scan3A_0 to %scan3A_2 step %scan3A_3  : i32 {
      %broadcast_in_dim3A = arith.constant 0.000000e+00 : f32
      %broadcast_in_dim3A_26 = vector.broadcast %broadcast_in_dim3A : f32 to vector<16xf32>
      %swap3A = arith.index_cast %scan3A_25 : i32 to index
      %swap3A_27 = arith.constant 0 : index
      %swap3A_28 = tpu.vector_load %arg8[%swap3A, %swap3A_27] {strides = array<i32>} : memref<200x128xf32, #tpu.memory_space<vmem>>, vector<1x16xf32>,
      %swap3A_29 = vector.shape_cast %swap3A_28 : vector<1x16xf32> to vector<16xf32>
      %swap3A_30 = vector.shape_cast %broadcast_in_dim3A_26 : vector<16xf32> to vector<1x16xf32>
      tpu.vector_store %arg8[%swap3A, %swap3A_27], %swap3A_30 {strides = array<i32>} : memref<200x128xf32, #tpu.memory_space<vmem>>, vector<1x16xf32>,
      %broadcast_in_dim3A_31 = arith.constant 0.000000e+00 : f32
      %broadcast_in_dim3A_32 = vector.broadcast %broadcast_in_dim3A_31 : f32 to vector<16xf32>
      %swap3A_33 = arith.index_cast %scan3A_25 : i32 to index
      %swap3A_34 = arith.constant 16 : index
      %swap3A_35 = tpu.vector_load %arg8[%swap3A_33, %swap3A_34] {strides = array<i32>} : memref<200x128xf32, #tpu.memory_space<vmem>>, vector<1x16xf32>,
      %swap3A_36 = vector.shape_cast %swap3A_35 : vector<1x16xf32> to vector<16xf32>
      %swap3A_37 = vector.shape_cast %broadcast_in_dim3A_32 : vector<16xf32> to vector<1x16xf32>
      tpu.vector_store %arg8[%swap3A_33, %swap3A_34], %swap3A_37 {strides = array<i32>} : memref<200x128xf32, #tpu.memory_space<vmem>>, vector<1x16xf32>,
      %broadcast_in_dim3A_38 = arith.constant 0.000000e+00 : f32
      %broadcast_in_dim3A_39 = vector.broadcast %broadcast_in_dim3A_38 : f32 to vector<16xf32>
      %swap3A_40 = arith.index_cast %scan3A_25 : i32 to index
      %swap3A_41 = arith.constant 32 : index
      %swap3A_42 = tpu.vector_load %arg8[%swap3A_40, %swap3A_41] {strides = array<i32>} : memref<200x128xf32, #tpu.memory_space<vmem>>, vector<1x16xf32>,
      %swap3A_43 = vector.shape_cast %swap3A_42 : vector<1x16xf32> to vector<16xf32>
      %swap3A_44 = vector.shape_cast %broadcast_in_dim3A_39 : vector<16xf32> to vector<1x16xf32>
      tpu.vector_store %arg8[%swap3A_40, %swap3A_41], %swap3A_44 {strides = array<i32>} : memref<200x128xf32, #tpu.memory_space<vmem>>, vector<1x16xf32>,
      %broadcast_in_dim3A_45 = arith.constant 0.000000e+00 : f32
      %broadcast_in_dim3A_46 = vector.broadcast %broadcast_in_dim3A_45 : f32 to vector<16xf32>
      %swap3A_47 = arith.index_cast %scan3A_25 : i32 to index
      %swap3A_48 = arith.constant 48 : index
      %swap3A_49 = tpu.vector_load %arg8[%swap3A_47, %swap3A_48] {strides = array<i32>} : memref<200x128xf32, #tpu.memory_space<vmem>>, vector<1x16xf32>,
      %swap3A_50 = vector.shape_cast %swap3A_49 : vector<1x16xf32> to vector<16xf32>
      %swap3A_51 = vector.shape_cast %broadcast_in_dim3A_46 : vector<16xf32> to vector<1x16xf32>
      tpu.vector_store %arg8[%swap3A_47, %swap3A_48], %swap3A_51 {strides = array<i32>} : memref<200x128xf32, #tpu.memory_space<vmem>>, vector<1x16xf32>,
      %broadcast_in_dim3A_52 = arith.constant 0.000000e+00 : f32
      %broadcast_in_dim3A_53 = vector.broadcast %broadcast_in_dim3A_52 : f32 to vector<16xf32>
      %swap3A_54 = arith.index_cast %scan3A_25 : i32 to index
      %swap3A_55 = arith.constant 64 : index
      %swap3A_56 = tpu.vector_load %arg8[%swap3A_54, %swap3A_55] {strides = array<i32>} : memref<200x128xf32, #tpu.memory_space<vmem>>, vector<1x16xf32>,
      %swap3A_57 = vector.shape_cast %swap3A_56 : vector<1x16xf32> to vector<16xf32>
      %swap3A_58 = vector.shape_cast %broadcast_in_dim3A_53 : vector<16xf32> to vector<1x16xf32>
      tpu.vector_store %arg8[%swap3A_54, %swap3A_55], %swap3A_58 {strides = array<i32>} : memref<200x128xf32, #tpu.memory_space<vmem>>, vector<1x16xf32>,
      %broadcast_in_dim3A_59 = arith.constant 0.000000e+00 : f32
      %broadcast_in_dim3A_60 = vector.broadcast %broadcast_in_dim3A_59 : f32 to vector<16xf32>
      %swap3A_61 = arith.index_cast %scan3A_25 : i32 to index
      %swap3A_62 = arith.constant 80 : index
      %swap3A_63 = tpu.vector_load %arg8[%swap3A_61, %swap3A_62] {strides = array<i32>} : memref<200x128xf32, #tpu.memory_space<vmem>>, vector<1x16xf32>,
      %swap3A_64 = vector.shape_cast %swap3A_63 : vector<1x16xf32> to vector<16xf32>
      %swap3A_65 = vector.shape_cast %broadcast_in_dim3A_60 : vector<16xf32> to vector<1x16xf32>
      tpu.vector_store %arg8[%swap3A_61, %swap3A_62], %swap3A_65 {strides = array<i32>} : memref<200x128xf32, #tpu.memory_space<vmem>>, vector<1x16xf32>,
      %broadcast_in_dim3A_66 = arith.constant 0.000000e+00 : f32
      %broadcast_in_dim3A_67 = vector.broadcast %broadcast_in_dim3A_66 : f32 to vector<16xf32>
      %swap3A_68 = arith.index_cast %scan3A_25 : i32 to index
      %swap3A_69 = arith.constant 96 : index
      %swap3A_70 = tpu.vector_load %arg8[%swap3A_68, %swap3A_69] {strides = array<i32>} : memref<200x128xf32, #tpu.memory_space<vmem>>, vector<1x16xf32>,
      %swap3A_71 = vector.shape_cast %swap3A_70 : vector<1x16xf32> to vector<16xf32>
      %swap3A_72 = vector.shape_cast %broadcast_in_dim3A_67 : vector<16xf32> to vector<1x16xf32>
      tpu.vector_store %arg8[%swap3A_68, %swap3A_69], %swap3A_72 {strides = array<i32>} : memref<200x128xf32, #tpu.memory_space<vmem>>, vector<1x16xf32>,
      %broadcast_in_dim3A_73 = arith.constant 0.000000e+00 : f32
      %broadcast_in_dim3A_74 = vector.broadcast %broadcast_in_dim3A_73 : f32 to vector<16xf32>
      %swap3A_75 = arith.index_cast %scan3A_25 : i32 to index
      %swap3A_76 = arith.constant 112 : index
      %swap3A_77 = tpu.vector_load %arg8[%swap3A_75, %swap3A_76] {strides = array<i32>} : memref<200x128xf32, #tpu.memory_space<vmem>>, vector<1x16xf32>,
      %swap3A_78 = vector.shape_cast %swap3A_77 : vector<1x16xf32> to vector<16xf32>
      %swap3A_79 = vector.shape_cast %broadcast_in_dim3A_74 : vector<16xf32> to vector<1x16xf32>
      tpu.vector_store %arg8[%swap3A_75, %swap3A_76], %swap3A_79 {strides = array<i32>} : memref<200x128xf32, #tpu.memory_space<vmem>>, vector<1x16xf32>,
    }
    %scan3A_4 = arith.constant 200 : i32
    %scan3A_5 = arith.constant 0 : i32
    %scan3A_6 = arith.constant 0 : i32
    %scan3A_7 = arith.constant 4 : i32
    %scan3A_8 = arith.addi %scan3A_6, %scan3A_7 : i32
    %scan3A_9 = arith.constant 1 : i32
    scf.for %scan3A_25 = %scan3A_6 to %scan3A_8 step %scan3A_9  : i32 {
      %mul3A_26 = arith.constant 16 : i32
      %mul3A_27 = arith.muli %scan3A_25, %mul3A_26 : i32
      %add3A = arith.addi %arg1, %mul3A_27 : i32
      %lt3A = arith.constant 50 : i32
      %lt3A_28 = arith.cmpi slt, %add3A, %lt3A : i32
      %convert_element_type3A = arith.extui %lt3A_28 : i1 to i32
      %cond3A = arith.constant 0 : i32
      %cond3A_29 = arith.cmpi ne, %convert_element_type3A, %cond3A : i32
      scf.if %cond3A_29 {
        %mul3A_30 = arith.constant 200 : i32
        %mul3A_31 = arith.muli %add3A, %mul3A_30 : i32
        "tpu.region"() ({
          %run_scoped3A = tpu.sem_alloc : memref<!tpu.dma_semaphore, #tpu.memory_space<semaphore_mem>>
          %dma_start3A = arith.constant 0 : i32
          %dma_start3A_32 = tpu.memref_slice %arg5[%mul3A_31, %dma_start3A] : memref<10000x128xf32, #tpu.memory_space<vmem_shared>> -> memref<200x128xf32, #tpu.memory_space<vmem_shared>>
          %dma_start3A_33 = arith.constant 0 : i32
          %dma_start3A_34 = tpu.memref_slice %arg5[%mul3A_31, %dma_start3A_33] : memref<10000x128xf32, #tpu.memory_space<vmem_shared>> -> memref<200x128xf32, #tpu.memory_space<vmem_shared>>
          tpu.enqueue_dma source(%arg8 : memref<200x128xf32, #tpu.memory_space<vmem>>) target(%dma_start3A_34 : memref<200x128xf32, #tpu.memory_space<vmem_shared>>) target_semaphore(%run_scoped3A : memref<!tpu.dma_semaphore, #tpu.memory_space<semaphore_mem>>)
          %dma_wait3A = arith.constant 0 : i32
          %dma_wait3A_35 = tpu.memref_slice %arg5[%mul3A_31, %dma_wait3A] : memref<10000x128xf32, #tpu.memory_space<vmem_shared>> -> memref<200x128xf32, #tpu.memory_space<vmem_shared>>
          %dma_wait3A_36 = arith.constant 0 : i32
          %dma_wait3A_37 = tpu.memref_slice %arg5[%mul3A_31, %dma_wait3A_36] : memref<10000x128xf32, #tpu.memory_space<vmem_shared>> -> memref<200x128xf32, #tpu.memory_space<vmem_shared>>
          tpu.wait_dma2 semaphore(%run_scoped3A : memref<!tpu.dma_semaphore, #tpu.memory_space<semaphore_mem>>) src(%arg8 : memref<200x128xf32, #tpu.memory_space<vmem>>) dst(%dma_wait3A_37 : memref<200x128xf32, #tpu.memory_space<vmem_shared>>)
          tpu.yield
        }) : () -> ()
      } else {
      }
    }
    %scan3A_10 = arith.constant 4 : i32
    %barrier3A = arith.constant 0 : index
    tpu.barrier barrier_id(%barrier3A)
    %mul3A = arith.constant 10000 : i32
    %mul3A_11 = arith.muli %arg1, %mul3A : i32
    %scan3A_12 = arith.constant 0 : i32
    %scan3A_13 = arith.constant 0 : i32
    %scan3A_14 = arith.constant 125 : i32
    %scan3A_15 = arith.addi %scan3A_13, %scan3A_14 : i32
    %scan3A_16 = arith.constant 1 : i32
    scf.for %scan3A_25 = %scan3A_13 to %scan3A_15 step %scan3A_16  : i32 {
      %mul3A_26 = arith.constant 80 : i32
      %mul3A_27 = arith.muli %scan3A_25, %mul3A_26 : i32
      %add3A = arith.addi %mul3A_11, %mul3A_27 : i32
      "tpu.region"() ({
        %run_scoped3A = tpu.sem_alloc : memref<!tpu.dma_semaphore, #tpu.memory_space<semaphore_mem>>
        %dma_start3A = tpu.memref_slice %arg3[%add3A] : memref<160000xi32, #tpu.memory_space<hbm>> -> memref<80xi32, #tpu.memory_space<hbm>>
        %dma_start3A_30 = tpu.memref_slice %arg3[%add3A] : memref<160000xi32, #tpu.memory_space<hbm>> -> memref<80xi32, #tpu.memory_space<hbm>>
        tpu.enqueue_dma source(%dma_start3A_30 : memref<80xi32, #tpu.memory_space<hbm>>) target(%arg6 : memref<80xi32, #tpu.memory_space<vmem>>) target_semaphore(%run_scoped3A : memref<!tpu.dma_semaphore, #tpu.memory_space<semaphore_mem>>)
        %dma_wait3A = tpu.memref_slice %arg3[%add3A] : memref<160000xi32, #tpu.memory_space<hbm>> -> memref<80xi32, #tpu.memory_space<hbm>>
        %dma_wait3A_31 = tpu.memref_slice %arg3[%add3A] : memref<160000xi32, #tpu.memory_space<hbm>> -> memref<80xi32, #tpu.memory_space<hbm>>
        tpu.wait_dma2 semaphore(%run_scoped3A : memref<!tpu.dma_semaphore, #tpu.memory_space<semaphore_mem>>) src(%dma_wait3A_31 : memref<80xi32, #tpu.memory_space<hbm>>) dst(%arg6 : memref<80xi32, #tpu.memory_space<vmem>>)
        tpu.yield
      }) : () -> ()
      %mul3A_28 = arith.constant 128 : i32
      %mul3A_29 = arith.muli %arg0, %mul3A_28 : i32
      "tpu.region"() ({
        %run_scoped3A = tpu.sem_alloc : memref<!tpu.dma_semaphore, #tpu.memory_space<semaphore_mem>>
        %dma_start3A = tpu.memref_slice %arg2[%add3A, %mul3A_29] : memref<160000x256xf32, #tpu.memory_space<hbm>> -> memref<80x128xf32, #tpu.memory_space<hbm>>
        %dma_start3A_30 = tpu.memref_slice %arg2[%add3A, %mul3A_29] : memref<160000x256xf32, #tpu.memory_space<hbm>> -> memref<80x128xf32, #tpu.memory_space<hbm>>
        tpu.enqueue_dma source(%dma_start3A_30 : memref<80x128xf32, #tpu.memory_space<hbm>>) target(%arg7 : memref<80x128xf32, #tpu.memory_space<vmem>>) target_semaphore(%run_scoped3A : memref<!tpu.dma_semaphore, #tpu.memory_space<semaphore_mem>>)
        %dma_wait3A = tpu.memref_slice %arg2[%add3A, %mul3A_29] : memref<160000x256xf32, #tpu.memory_space<hbm>> -> memref<80x128xf32, #tpu.memory_space<hbm>>
        %dma_wait3A_31 = tpu.memref_slice %arg2[%add3A, %mul3A_29] : memref<160000x256xf32, #tpu.memory_space<hbm>> -> memref<80x128xf32, #tpu.memory_space<hbm>>
        tpu.wait_dma2 semaphore(%run_scoped3A : memref<!tpu.dma_semaphore, #tpu.memory_space<semaphore_mem>>) src(%dma_wait3A_31 : memref<80x128xf32, #tpu.memory_space<hbm>>) dst(%arg7 : memref<80x128xf32, #tpu.memory_space<vmem>>)
        tpu.yield
      }) : () -> ()
      "tpu.region"() ({
        %run_scoped3A = tpu.sem_alloc : memref<!tpu.dma_semaphore, #tpu.memory_space<semaphore_mem>>
        %dma_start3A = arith.constant 0 : i32
        %dma_start3A_30 = arith.constant 0 : i32
        %dma_start3A_31 = tpu.memref_slice %arg5[%dma_start3A, %dma_start3A_30] : memref<10000x128xf32, #tpu.memory_space<vmem_shared>> -> memref<10000x128xf32, #tpu.memory_space<vmem_shared>>
        tpu.enqueue_indirect_dma source(%arg7 : memref<80x128xf32, #tpu.memory_space<vmem>>) target(%dma_start3A_31 : memref<10000x128xf32, #tpu.memory_space<vmem_shared>>) offsets(%arg6 : memref<80xi32, #tpu.memory_space<vmem>>) semaphore(%run_scoped3A : memref<!tpu.dma_semaphore, #tpu.memory_space<semaphore_mem>>) {add = true}
        %dma_wait3A = arith.constant 0 : i32
        %dma_wait3A_32 = arith.constant 0 : i32
        %dma_wait3A_33 = tpu.memref_slice %arg5[%dma_wait3A, %dma_wait3A_32] : memref<10000x128xf32, #tpu.memory_space<vmem_shared>> -> memref<10000x128xf32, #tpu.memory_space<vmem_shared>>
        tpu.wait_indirect_dma semaphore(%run_scoped3A : memref<!tpu.dma_semaphore, #tpu.memory_space<semaphore_mem>>) src(%arg7 : memref<80x128xf32, #tpu.memory_space<vmem>>) dst(%dma_wait3A_33 : memref<10000x128xf32, #tpu.memory_space<vmem_shared>>)
        tpu.yield
      }) : () -> ()
    }
    %scan3A_17 = arith.constant 125 : i32
    %barrier3A_18 = arith.constant 0 : index
    tpu.barrier barrier_id(%barrier3A_18)
    %scan3A_19 = arith.constant 0 : i32
    %scan3A_20 = arith.constant 0 : i32
    %scan3A_21 = arith.constant 4 : i32
    %scan3A_22 = arith.addi %scan3A_20, %scan3A_21 : i32
    %scan3A_23 = arith.constant 1 : i32
    scf.for %scan3A_25 = %scan3A_20 to %scan3A_22 step %scan3A_23  : i32 {
      %mul3A_26 = arith.constant 16 : i32
      %mul3A_27 = arith.muli %scan3A_25, %mul3A_26 : i32
      %add3A = arith.addi %arg1, %mul3A_27 : i32
      %lt3A = arith.constant 50 : i32
      %lt3A_28 = arith.cmpi slt, %add3A, %lt3A : i32
      %convert_element_type3A = arith.extui %lt3A_28 : i1 to i32
      %cond3A = arith.constant 0 : i32
      %cond3A_29 = arith.cmpi ne, %convert_element_type3A, %cond3A : i32
      scf.if %cond3A_29 {
        %mul3A_30 = arith.constant 200 : i32
        %mul3A_31 = arith.muli %add3A, %mul3A_30 : i32
        %mul3A_32 = arith.constant 200 : i32
        %mul3A_33 = arith.muli %add3A, %mul3A_32 : i32
        %mul3A_34 = arith.constant 128 : i32
        %mul3A_35 = arith.muli %arg0, %mul3A_34 : i32
        "tpu.region"() ({
          %run_scoped3A = tpu.sem_alloc : memref<!tpu.dma_semaphore, #tpu.memory_space<semaphore_mem>>
          %dma_start3A = tpu.memref_slice %arg4[%mul3A_33, %mul3A_35] : memref<10000x256xf32, #tpu.memory_space<hbm>> -> memref<200x128xf32, #tpu.memory_space<hbm>>
          %dma_start3A_36 = arith.constant 0 : i32
          %dma_start3A_37 = tpu.memref_slice %arg5[%mul3A_31, %dma_start3A_36] : memref<10000x128xf32, #tpu.memory_space<vmem_shared>> -> memref<200x128xf32, #tpu.memory_space<vmem_shared>>
          tpu.enqueue_dma source(%dma_start3A_37 : memref<200x128xf32, #tpu.memory_space<vmem_shared>>) target(%dma_start3A : memref<200x128xf32, #tpu.memory_space<hbm>>) target_semaphore(%run_scoped3A : memref<!tpu.dma_semaphore, #tpu.memory_space<semaphore_mem>>)
          %dma_wait3A = tpu.memref_slice %arg4[%mul3A_33, %mul3A_35] : memref<10000x256xf32, #tpu.memory_space<hbm>> -> memref<200x128xf32, #tpu.memory_space<hbm>>
          %dma_wait3A_38 = arith.constant 0 : i32
          %dma_wait3A_39 = tpu.memref_slice %arg5[%mul3A_31, %dma_wait3A_38] : memref<10000x128xf32, #tpu.memory_space<vmem_shared>> -> memref<200x128xf32, #tpu.memory_space<vmem_shared>>
          tpu.wait_dma2 semaphore(%run_scoped3A : memref<!tpu.dma_semaphore, #tpu.memory_space<semaphore_mem>>) src(%dma_wait3A_39 : memref<200x128xf32, #tpu.memory_space<vmem_shared>>) dst(%dma_wait3A : memref<200x128xf32, #tpu.memory_space<hbm>>)
          tpu.yield
        }) : () -> ()
      } else {
      }
    }
    %scan3A_24 = arith.constant 4 : i32
    return
  }
}

module attributes {stable_mosaic.version = 14 : i64} {
  func.func @_proj_body(%arg0: i32, %arg1: memref<1000x256xf32, #tpu.memory_space<vmem>>, %arg2: memref<256x512xf32, #tpu.memory_space<vmem>>, %arg3: memref<256x512xf32, #tpu.memory_space<vmem>>, %arg4: memref<1000x512xf32, #tpu.memory_space<vmem>>, %arg5: memref<1000x512xf32, #tpu.memory_space<vmem>>) attributes {dimension_semantics = [#tpu.dimension_semantics<arbitrary>], iteration_bounds = array<i64: 10>, scalar_prefetch = 0 : i64, scratch_operands = 0 : i64, tpu.core_type = #tpu.core_type<tc>, window_params = [{transform_indices = @transform_0, window_bounds = array<i64: 1000, 256>}, {pipeline_mode = #tpu.pipeline_mode<synchronous>, transform_indices = @transform_1, window_bounds = array<i64: 256, 512>}, {pipeline_mode = #tpu.pipeline_mode<synchronous>, transform_indices = @transform_2, window_bounds = array<i64: 256, 512>}, {transform_indices = @transform_3, window_bounds = array<i64: 1000, 512>}, {transform_indices = @transform_4, window_bounds = array<i64: 1000, 512>}]} {
    %get3A = arith.constant 0 : index
    %get3A_0 = arith.constant 0 : index
    %get3A_1 = vector.load %arg1[%get3A, %get3A_0] : memref<1000x256xf32, #tpu.memory_space<vmem>>, vector<1000x256xf32>
    %get3A_2 = arith.constant 0 : index
    %get3A_3 = arith.constant 0 : index
    %get3A_4 = vector.load %arg2[%get3A_2, %get3A_3] : memref<256x512xf32, #tpu.memory_space<vmem>>, vector<256x512xf32>
    %dot_general3A = arith.constant dense<0.000000e+00> : vector<1000x512xf32>
    %dot_general3A_5 = tpu.matmul %get3A_1, %get3A_4, %dot_general3A {dimension_numbers = #tpu.dot_dimension_numbers<[1], [0], [0], [1], [0, 0, 1, 1], [], []>, transpose_lhs_hint = false} : vector<1000x256xf32>, vector<256x512xf32>, vector<1000x512xf32> -> vector<1000x512xf32>
    %swap3A = arith.constant 0 : index
    %swap3A_6 = arith.constant 0 : index
    %swap3A_7 = vector.load %arg4[%swap3A, %swap3A_6] : memref<1000x512xf32, #tpu.memory_space<vmem>>, vector<1000x512xf32>
    tpu.vector_store %arg4[%swap3A, %swap3A_6], %dot_general3A_5 {strides = array<i32>} : memref<1000x512xf32, #tpu.memory_space<vmem>>, vector<1000x512xf32>,
    %get3A_8 = arith.constant 0 : index
    %get3A_9 = arith.constant 0 : index
    %get3A_10 = vector.load %arg3[%get3A_8, %get3A_9] : memref<256x512xf32, #tpu.memory_space<vmem>>, vector<256x512xf32>
    %dot_general3A_11 = arith.constant dense<0.000000e+00> : vector<1000x512xf32>
    %dot_general3A_12 = tpu.matmul %get3A_1, %get3A_10, %dot_general3A_11 {dimension_numbers = #tpu.dot_dimension_numbers<[1], [0], [0], [1], [0, 0, 1, 1], [], []>, transpose_lhs_hint = false} : vector<1000x256xf32>, vector<256x512xf32>, vector<1000x512xf32> -> vector<1000x512xf32>
    %swap3A_13 = arith.constant 0 : index
    %swap3A_14 = arith.constant 0 : index
    %swap3A_15 = vector.load %arg5[%swap3A_13, %swap3A_14] : memref<1000x512xf32, #tpu.memory_space<vmem>>, vector<1000x512xf32>
    tpu.vector_store %arg5[%swap3A_13, %swap3A_14], %dot_general3A_12 {strides = array<i32>} : memref<1000x512xf32, #tpu.memory_space<vmem>>, vector<1000x512xf32>,
    return
  }
  func.func @transform_0(%arg0: i32) -> (i32, i32) {
    %c0_i32 = arith.constant 0 : i32
    %c0_i32_0 = arith.constant 0 : i32
    return %arg0, %c0_i32 : i32, i32
  }
  func.func @transform_1(%arg0: i32) -> (i32, i32) {
    %c0_i32 = arith.constant 0 : i32
    %c0_i32_0 = arith.constant 0 : i32
    %c0_i32_1 = arith.constant 0 : i32
    return %c0_i32, %c0_i32_0 : i32, i32
  }
  func.func @transform_2(%arg0: i32) -> (i32, i32) {
    %c0_i32 = arith.constant 0 : i32
    %c0_i32_0 = arith.constant 0 : i32
    %c0_i32_1 = arith.constant 0 : i32
    return %c0_i32, %c0_i32_0 : i32, i32
  }
  func.func @transform_3(%arg0: i32) -> (i32, i32) {
    %c0_i32 = arith.constant 0 : i32
    %c0_i32_0 = arith.constant 0 : i32
    return %arg0, %c0_i32 : i32, i32
  }
  func.func @transform_4(%arg0: i32) -> (i32, i32) {
    %c0_i32 = arith.constant 0 : i32
    %c0_i32_0 = arith.constant 0 : i32
    return %arg0, %c0_i32 : i32, i32
  }
}

module attributes {stable_mosaic.version = 14 : i64} {
  func.func @_stats_body(%arg0: i32, %arg1: memref<2000x512xf32, #tpu.memory_space<vmem>>, %arg2: memref<2000x16xf32, #tpu.memory_space<vmem>>, %arg3: memref<16x512xf32, #tpu.memory_space<vmem>>, %arg4: memref<2x512xf32, #tpu.memory_space<vmem>>) attributes {dimension_semantics = [#tpu.dimension_semantics<arbitrary>], iteration_bounds = array<i64: 80>, scalar_prefetch = 0 : i64, scratch_operands = 0 : i64, tpu.core_type = #tpu.core_type<tc>, window_params = [{transform_indices = @transform_0, window_bounds = array<i64: 2000, 512>}, {transform_indices = @transform_1, window_bounds = array<i64: 2000, 16>}, {pipeline_mode = #tpu.pipeline_mode<synchronous>, transform_indices = @transform_2, window_bounds = array<i64: 16, 512>}, {pipeline_mode = #tpu.pipeline_mode<synchronous>, transform_indices = @transform_3, window_bounds = array<i64: 2, 512>}]} {
    %get3A = arith.constant 0 : index
    %get3A_0 = arith.constant 0 : index
    %get3A_1 = vector.load %arg1[%get3A, %get3A_0] : memref<2000x512xf32, #tpu.memory_space<vmem>>, vector<2000x512xf32>
    %get3A_2 = arith.constant 0 : index
    %get3A_3 = arith.constant 0 : index
    %get3A_4 = vector.load %arg2[%get3A_2, %get3A_3] : memref<2000x16xf32, #tpu.memory_space<vmem>>, vector<2000x16xf32>
    %get3A_5 = arith.constant 0 : index
    %get3A_6 = arith.constant 0 : index
    %get3A_7 = vector.load %arg3[%get3A_5, %get3A_6] : memref<16x512xf32, #tpu.memory_space<vmem>>, vector<16x512xf32>
    %dot_general3A = arith.constant dense<0.000000e+00> : vector<2000x512xf32>
    %dot_general3A_8 = tpu.matmul %get3A_4, %get3A_7, %dot_general3A {dimension_numbers = #tpu.dot_dimension_numbers<[1], [0], [0], [1], [0, 0, 1, 1], [], []>, transpose_lhs_hint = false} : vector<2000x16xf32>, vector<16x512xf32>, vector<2000x512xf32> -> vector<2000x512xf32>
    %add3A = arith.addf %get3A_1, %dot_general3A_8 : vector<2000x512xf32>
    %reduce_sum3A = arith.constant dense<0.000000e+00> : vector<512xf32>
    %reduce_sum3A_9 = vector.multi_reduction <add>, %add3A, %reduce_sum3A [0] : vector<2000x512xf32> to vector<512xf32>
    %mul3A = arith.mulf %add3A, %add3A : vector<2000x512xf32>
    %reduce_sum3A_10 = arith.constant dense<0.000000e+00> : vector<512xf32>
    %reduce_sum3A_11 = vector.multi_reduction <add>, %mul3A, %reduce_sum3A_10 [0] : vector<2000x512xf32> to vector<512xf32>
    %eq3A = arith.constant 0 : i32
    %eq3A_12 = arith.cmpi eq, %arg0, %eq3A : i32
    %convert_element_type3A = arith.extui %eq3A_12 : i1 to i32
    %cond3A = arith.constant 0 : i32
    %cond3A_13 = arith.cmpi ne, %convert_element_type3A, %cond3A : i32
    scf.if %cond3A_13 {
      %broadcast_in_dim3A = arith.constant 0.000000e+00 : f32
      %broadcast_in_dim3A_33 = vector.broadcast %broadcast_in_dim3A : f32 to vector<2x512xf32>
      %swap3A_34 = arith.constant 0 : index
      %swap3A_35 = arith.constant 0 : index
      %swap3A_36 = vector.load %arg4[%swap3A_34, %swap3A_35] : memref<2x512xf32, #tpu.memory_space<vmem>>, vector<2x512xf32>
      tpu.vector_store %arg4[%swap3A_34, %swap3A_35], %broadcast_in_dim3A_33 {strides = array<i32>} : memref<2x512xf32, #tpu.memory_space<vmem>>, vector<2x512xf32>,
    } else {
    }
    %get3A_14 = arith.constant 0 : index
    %get3A_15 = arith.constant 0 : index
    %get3A_16 = vector.load %arg4[%get3A_14, %get3A_15] : memref<2x512xf32, #tpu.memory_space<vmem>>, vector<1x512xf32>
    %get3A_17 = vector.shape_cast %get3A_16 : vector<1x512xf32> to vector<512xf32>
    %add3A_18 = arith.addf %get3A_17, %reduce_sum3A_9 : vector<512xf32>
    %swap3A = arith.constant 0 : index
    %swap3A_19 = arith.constant 0 : index
    %swap3A_20 = vector.load %arg4[%swap3A, %swap3A_19] : memref<2x512xf32, #tpu.memory_space<vmem>>, vector<1x512xf32>
    %swap3A_21 = vector.shape_cast %swap3A_20 : vector<1x512xf32> to vector<512xf32>
    %swap3A_22 = vector.shape_cast %add3A_18 : vector<512xf32> to vector<1x512xf32>
    tpu.vector_store %arg4[%swap3A, %swap3A_19], %swap3A_22 {strides = array<i32>} : memref<2x512xf32, #tpu.memory_space<vmem>>, vector<1x512xf32>,
    %get3A_23 = arith.constant 1 : index
    %get3A_24 = arith.constant 0 : index
    %get3A_25 = vector.load %arg4[%get3A_23, %get3A_24] : memref<2x512xf32, #tpu.memory_space<vmem>>, vector<1x512xf32>
    %get3A_26 = vector.shape_cast %get3A_25 : vector<1x512xf32> to vector<512xf32>
    %add3A_27 = arith.addf %get3A_26, %reduce_sum3A_11 : vector<512xf32>
    %swap3A_28 = arith.constant 1 : index
    %swap3A_29 = arith.constant 0 : index
    %swap3A_30 = vector.load %arg4[%swap3A_28, %swap3A_29] : memref<2x512xf32, #tpu.memory_space<vmem>>, vector<1x512xf32>
    %swap3A_31 = vector.shape_cast %swap3A_30 : vector<1x512xf32> to vector<512xf32>
    %swap3A_32 = vector.shape_cast %add3A_27 : vector<512xf32> to vector<1x512xf32>
    tpu.vector_store %arg4[%swap3A_28, %swap3A_29], %swap3A_32 {strides = array<i32>} : memref<2x512xf32, #tpu.memory_space<vmem>>, vector<1x512xf32>,
    return
  }
  func.func @transform_0(%arg0: i32) -> (i32, i32) {
    %c0_i32 = arith.constant 0 : i32
    %c0_i32_0 = arith.constant 0 : i32
    return %arg0, %c0_i32 : i32, i32
  }
  func.func @transform_1(%arg0: i32) -> (i32, i32) {
    %c0_i32 = arith.constant 0 : i32
    %c0_i32_0 = arith.constant 0 : i32
    return %arg0, %c0_i32 : i32, i32
  }
  func.func @transform_2(%arg0: i32) -> (i32, i32) {
    %c0_i32 = arith.constant 0 : i32
    %c0_i32_0 = arith.constant 0 : i32
    %c0_i32_1 = arith.constant 0 : i32
    return %c0_i32, %c0_i32_0 : i32, i32
  }
  func.func @transform_3(%arg0: i32) -> (i32, i32) {
    %c0_i32 = arith.constant 0 : i32
    %c0_i32_0 = arith.constant 0 : i32
    %c0_i32_1 = arith.constant 0 : i32
    return %c0_i32, %c0_i32_0 : i32, i32
  }
}

module attributes {stable_mosaic.version = 14 : i64} {
  func.func @_gate_body(%arg0: i32, %arg1: memref<2000x512xf32, #tpu.memory_space<vmem>>, %arg2: memref<2000x16xf32, #tpu.memory_space<vmem>>, %arg3: memref<16x512xf32, #tpu.memory_space<vmem>>, %arg4: memref<1x512xf32, #tpu.memory_space<vmem>>, %arg5: memref<1x512xf32, #tpu.memory_space<vmem>>, %arg6: memref<2000x256xf32, #tpu.memory_space<vmem>>) attributes {dimension_semantics = [#tpu.dimension_semantics<arbitrary>], iteration_bounds = array<i64: 80>, scalar_prefetch = 0 : i64, scratch_operands = 0 : i64, tpu.core_type = #tpu.core_type<tc>, window_params = [{transform_indices = @transform_0, window_bounds = array<i64: 2000, 512>}, {transform_indices = @transform_1, window_bounds = array<i64: 2000, 16>}, {pipeline_mode = #tpu.pipeline_mode<synchronous>, transform_indices = @transform_2, window_bounds = array<i64: 16, 512>}, {pipeline_mode = #tpu.pipeline_mode<synchronous>, transform_indices = @transform_3, window_bounds = array<i64: 1, 512>}, {pipeline_mode = #tpu.pipeline_mode<synchronous>, transform_indices = @transform_4, window_bounds = array<i64: 1, 512>}, {transform_indices = @transform_5, window_bounds = array<i64: 2000, 256>}]} {
    %get3A = arith.constant 0 : index
    %get3A_0 = arith.constant 0 : index
    %get3A_1 = vector.load %arg1[%get3A, %get3A_0] : memref<2000x512xf32, #tpu.memory_space<vmem>>, vector<2000x512xf32>
    %get3A_2 = arith.constant 0 : index
    %get3A_3 = arith.constant 0 : index
    %get3A_4 = vector.load %arg2[%get3A_2, %get3A_3] : memref<2000x16xf32, #tpu.memory_space<vmem>>, vector<2000x16xf32>
    %get3A_5 = arith.constant 0 : index
    %get3A_6 = arith.constant 0 : index
    %get3A_7 = vector.load %arg3[%get3A_5, %get3A_6] : memref<16x512xf32, #tpu.memory_space<vmem>>, vector<16x512xf32>
    %dot_general3A = arith.constant dense<0.000000e+00> : vector<2000x512xf32>
    %dot_general3A_8 = tpu.matmul %get3A_4, %get3A_7, %dot_general3A {dimension_numbers = #tpu.dot_dimension_numbers<[1], [0], [0], [1], [0, 0, 1, 1], [], []>, transpose_lhs_hint = false} : vector<2000x16xf32>, vector<16x512xf32>, vector<2000x512xf32> -> vector<2000x512xf32>
    %add3A = arith.addf %get3A_1, %dot_general3A_8 : vector<2000x512xf32>
    %get3A_9 = arith.constant 0 : index
    %get3A_10 = arith.constant 0 : index
    %get3A_11 = vector.load %arg4[%get3A_9, %get3A_10] : memref<1x512xf32, #tpu.memory_space<vmem>>, vector<1x512xf32>
    %mul3A = vector.broadcast %get3A_11 : vector<1x512xf32> to vector<2000x512xf32>
    %mul3A_12 = arith.mulf %add3A, %mul3A : vector<2000x512xf32>
    %get3A_13 = arith.constant 0 : index
    %get3A_14 = arith.constant 0 : index
    %get3A_15 = vector.load %arg5[%get3A_13, %get3A_14] : memref<1x512xf32, #tpu.memory_space<vmem>>, vector<1x512xf32>
    %add3A_16 = vector.broadcast %get3A_15 : vector<1x512xf32> to vector<2000x512xf32>
    %add3A_17 = arith.addf %mul3A_12, %add3A_16 : vector<2000x512xf32>
    %slice3A = vector.extract_strided_slice %add3A_17 {offsets = [0, 0], sizes = [2000, 256], strides = [1, 1]} : vector<2000x512xf32> to vector<2000x256xf32>
    %logistic3A = arith.negf %slice3A : vector<2000x256xf32>
    %logistic3A_18 = math.exp %logistic3A : vector<2000x256xf32>
    %logistic3A_19 = arith.constant 1.000000e+00 : f32
    %logistic3A_20 = vector.broadcast %logistic3A_19 : f32 to vector<2000x256xf32>
    %logistic3A_21 = arith.addf %logistic3A_20, %logistic3A_18 : vector<2000x256xf32>
    %logistic3A_22 = arith.divf %logistic3A_20, %logistic3A_21 : vector<2000x256xf32>
    %slice3A_23 = vector.extract_strided_slice %add3A_17 {offsets = [0, 256], sizes = [2000, 256], strides = [1, 1]} : vector<2000x512xf32> to vector<2000x256xf32>
    %max3A = arith.constant 0.000000e+00 : f32
    %max3A_24 = vector.broadcast %max3A : f32 to vector<2000x256xf32>
    %max3A_25 = arith.maximumf %slice3A_23, %max3A_24 : vector<2000x256xf32>
    %abs3A = math.absf %slice3A_23 : vector<2000x256xf32>
    %neg3A = arith.constant 0.000000e+00 : f32
    %neg3A_26 = vector.broadcast %neg3A : f32 to vector<2000x256xf32>
    %neg3A_27 = arith.subf %neg3A_26, %abs3A : vector<2000x256xf32>
    %exp3A = math.exp %neg3A_27 : vector<2000x256xf32>
    %log1p3A = math.log1p %exp3A : vector<2000x256xf32>
    %add3A_28 = arith.addf %max3A_25, %log1p3A : vector<2000x256xf32>
    %mul3A_29 = arith.mulf %logistic3A_22, %add3A_28 : vector<2000x256xf32>
    %swap3A = arith.constant 0 : index
    %swap3A_30 = arith.constant 0 : index
    %swap3A_31 = vector.load %arg6[%swap3A, %swap3A_30] : memref<2000x256xf32, #tpu.memory_space<vmem>>, vector<2000x256xf32>
    tpu.vector_store %arg6[%swap3A, %swap3A_30], %mul3A_29 {strides = array<i32>} : memref<2000x256xf32, #tpu.memory_space<vmem>>, vector<2000x256xf32>,
    return
  }
  func.func @transform_0(%arg0: i32) -> (i32, i32) {
    %c0_i32 = arith.constant 0 : i32
    %c0_i32_0 = arith.constant 0 : i32
    return %arg0, %c0_i32 : i32, i32
  }
  func.func @transform_1(%arg0: i32) -> (i32, i32) {
    %c0_i32 = arith.constant 0 : i32
    %c0_i32_0 = arith.constant 0 : i32
    return %arg0, %c0_i32 : i32, i32
  }
  func.func @transform_2(%arg0: i32) -> (i32, i32) {
    %c0_i32 = arith.constant 0 : i32
    %c0_i32_0 = arith.constant 0 : i32
    %c0_i32_1 = arith.constant 0 : i32
    return %c0_i32, %c0_i32_0 : i32, i32
  }
  func.func @transform_3(%arg0: i32) -> (i32, i32) {
    %c0_i32 = arith.constant 0 : i32
    %c0_i32_0 = arith.constant 0 : i32
    %c0_i32_1 = arith.constant 0 : i32
    return %c0_i32, %c0_i32_0 : i32, i32
  }
  func.func @transform_4(%arg0: i32) -> (i32, i32) {
    %c0_i32 = arith.constant 0 : i32
    %c0_i32_0 = arith.constant 0 : i32
    %c0_i32_1 = arith.constant 0 : i32
    return %c0_i32, %c0_i32_0 : i32, i32
  }
  func.func @transform_5(%arg0: i32) -> (i32, i32) {
    %c0_i32 = arith.constant 0 : i32
    %c0_i32_0 = arith.constant 0 : i32
    return %arg0, %c0_i32 : i32, i32
  }
}

module attributes {stable_mosaic.version = 14 : i64} {
  func.func @_nstats_body(%arg0: i32, %arg1: memref<2000x256xf32, #tpu.memory_space<vmem>>, %arg2: memref<2x256xf32, #tpu.memory_space<vmem>>) attributes {dimension_semantics = [#tpu.dimension_semantics<arbitrary>], iteration_bounds = array<i64: 5>, scalar_prefetch = 0 : i64, scratch_operands = 0 : i64, tpu.core_type = #tpu.core_type<tc>, window_params = [{transform_indices = @transform_0, window_bounds = array<i64: 2000, 256>}, {pipeline_mode = #tpu.pipeline_mode<synchronous>, transform_indices = @transform_1, window_bounds = array<i64: 2, 256>}]} {
    %get3A = arith.constant 0 : index
    %get3A_0 = arith.constant 0 : index
    %get3A_1 = vector.load %arg1[%get3A, %get3A_0] : memref<2000x256xf32, #tpu.memory_space<vmem>>, vector<2000x256xf32>
    %eq3A = arith.constant 0 : i32
    %eq3A_2 = arith.cmpi eq, %arg0, %eq3A : i32
    %convert_element_type3A = arith.extui %eq3A_2 : i1 to i32
    %cond3A = arith.constant 0 : i32
    %cond3A_3 = arith.cmpi ne, %convert_element_type3A, %cond3A : i32
    scf.if %cond3A_3 {
      %broadcast_in_dim3A = arith.constant 0.000000e+00 : f32
      %broadcast_in_dim3A_25 = vector.broadcast %broadcast_in_dim3A : f32 to vector<2x256xf32>
      %swap3A_26 = arith.constant 0 : index
      %swap3A_27 = arith.constant 0 : index
      %swap3A_28 = vector.load %arg2[%swap3A_26, %swap3A_27] : memref<2x256xf32, #tpu.memory_space<vmem>>, vector<2x256xf32>
      tpu.vector_store %arg2[%swap3A_26, %swap3A_27], %broadcast_in_dim3A_25 {strides = array<i32>} : memref<2x256xf32, #tpu.memory_space<vmem>>, vector<2x256xf32>,
    } else {
    }
    %get3A_4 = arith.constant 0 : index
    %get3A_5 = arith.constant 0 : index
    %get3A_6 = vector.load %arg2[%get3A_4, %get3A_5] : memref<2x256xf32, #tpu.memory_space<vmem>>, vector<1x256xf32>
    %get3A_7 = vector.shape_cast %get3A_6 : vector<1x256xf32> to vector<256xf32>
    %reduce_sum3A = arith.constant dense<0.000000e+00> : vector<256xf32>
    %reduce_sum3A_8 = vector.multi_reduction <add>, %get3A_1, %reduce_sum3A [0] : vector<2000x256xf32> to vector<256xf32>
    %add3A = arith.addf %get3A_7, %reduce_sum3A_8 : vector<256xf32>
    %swap3A = arith.constant 0 : index
    %swap3A_9 = arith.constant 0 : index
    %swap3A_10 = vector.load %arg2[%swap3A, %swap3A_9] : memref<2x256xf32, #tpu.memory_space<vmem>>, vector<1x256xf32>
    %swap3A_11 = vector.shape_cast %swap3A_10 : vector<1x256xf32> to vector<256xf32>
    %swap3A_12 = vector.shape_cast %add3A : vector<256xf32> to vector<1x256xf32>
    tpu.vector_store %arg2[%swap3A, %swap3A_9], %swap3A_12 {strides = array<i32>} : memref<2x256xf32, #tpu.memory_space<vmem>>, vector<1x256xf32>,
    %get3A_13 = arith.constant 1 : index
    %get3A_14 = arith.constant 0 : index
    %get3A_15 = vector.load %arg2[%get3A_13, %get3A_14] : memref<2x256xf32, #tpu.memory_space<vmem>>, vector<1x256xf32>
    %get3A_16 = vector.shape_cast %get3A_15 : vector<1x256xf32> to vector<256xf32>
    %mul3A = arith.mulf %get3A_1, %get3A_1 : vector<2000x256xf32>
    %reduce_sum3A_17 = arith.constant dense<0.000000e+00> : vector<256xf32>
    %reduce_sum3A_18 = vector.multi_reduction <add>, %mul3A, %reduce_sum3A_17 [0] : vector<2000x256xf32> to vector<256xf32>
    %add3A_19 = arith.addf %get3A_16, %reduce_sum3A_18 : vector<256xf32>
    %swap3A_20 = arith.constant 1 : index
    %swap3A_21 = arith.constant 0 : index
    %swap3A_22 = vector.load %arg2[%swap3A_20, %swap3A_21] : memref<2x256xf32, #tpu.memory_space<vmem>>, vector<1x256xf32>
    %swap3A_23 = vector.shape_cast %swap3A_22 : vector<1x256xf32> to vector<256xf32>
    %swap3A_24 = vector.shape_cast %add3A_19 : vector<256xf32> to vector<1x256xf32>
    tpu.vector_store %arg2[%swap3A_20, %swap3A_21], %swap3A_24 {strides = array<i32>} : memref<2x256xf32, #tpu.memory_space<vmem>>, vector<1x256xf32>,
    return
  }
  func.func @transform_0(%arg0: i32) -> (i32, i32) {
    %c0_i32 = arith.constant 0 : i32
    %c0_i32_0 = arith.constant 0 : i32
    return %arg0, %c0_i32 : i32, i32
  }
  func.func @transform_1(%arg0: i32) -> (i32, i32) {
    %c0_i32 = arith.constant 0 : i32
    %c0_i32_0 = arith.constant 0 : i32
    %c0_i32_1 = arith.constant 0 : i32
    return %c0_i32, %c0_i32_0 : i32, i32
  }
}

module attributes {stable_mosaic.version = 14 : i64} {
  func.func @_out_body(%arg0: i32, %arg1: memref<2000x256xf32, #tpu.memory_space<vmem>>, %arg2: memref<2000x256xf32, #tpu.memory_space<vmem>>, %arg3: memref<1x256xf32, #tpu.memory_space<vmem>>, %arg4: memref<1x256xf32, #tpu.memory_space<vmem>>, %arg5: memref<2000x256xf32, #tpu.memory_space<vmem>>) attributes {dimension_semantics = [#tpu.dimension_semantics<arbitrary>], iteration_bounds = array<i64: 5>, scalar_prefetch = 0 : i64, scratch_operands = 0 : i64, tpu.core_type = #tpu.core_type<tc>, window_params = [{transform_indices = @transform_0, window_bounds = array<i64: 2000, 256>}, {transform_indices = @transform_1, window_bounds = array<i64: 2000, 256>}, {pipeline_mode = #tpu.pipeline_mode<synchronous>, transform_indices = @transform_2, window_bounds = array<i64: 1, 256>}, {pipeline_mode = #tpu.pipeline_mode<synchronous>, transform_indices = @transform_3, window_bounds = array<i64: 1, 256>}, {transform_indices = @transform_4, window_bounds = array<i64: 2000, 256>}]} {
    %get3A = arith.constant 0 : index
    %get3A_0 = arith.constant 0 : index
    %get3A_1 = vector.load %arg1[%get3A, %get3A_0] : memref<2000x256xf32, #tpu.memory_space<vmem>>, vector<2000x256xf32>
    %get3A_2 = arith.constant 0 : index
    %get3A_3 = arith.constant 0 : index
    %get3A_4 = vector.load %arg2[%get3A_2, %get3A_3] : memref<2000x256xf32, #tpu.memory_space<vmem>>, vector<2000x256xf32>
    %get3A_5 = arith.constant 0 : index
    %get3A_6 = arith.constant 0 : index
    %get3A_7 = vector.load %arg3[%get3A_5, %get3A_6] : memref<1x256xf32, #tpu.memory_space<vmem>>, vector<1x256xf32>
    %mul3A = vector.broadcast %get3A_7 : vector<1x256xf32> to vector<2000x256xf32>
    %mul3A_8 = arith.mulf %get3A_4, %mul3A : vector<2000x256xf32>
    %add3A = arith.addf %get3A_1, %mul3A_8 : vector<2000x256xf32>
    %get3A_9 = arith.constant 0 : index
    %get3A_10 = arith.constant 0 : index
    %get3A_11 = vector.load %arg4[%get3A_9, %get3A_10] : memref<1x256xf32, #tpu.memory_space<vmem>>, vector<1x256xf32>
    %add3A_12 = vector.broadcast %get3A_11 : vector<1x256xf32> to vector<2000x256xf32>
    %add3A_13 = arith.addf %add3A, %add3A_12 : vector<2000x256xf32>
    %max3A = arith.constant 0.000000e+00 : f32
    %max3A_14 = vector.broadcast %max3A : f32 to vector<2000x256xf32>
    %max3A_15 = arith.maximumf %add3A_13, %max3A_14 : vector<2000x256xf32>
    %abs3A = math.absf %add3A_13 : vector<2000x256xf32>
    %neg3A = arith.constant 0.000000e+00 : f32
    %neg3A_16 = vector.broadcast %neg3A : f32 to vector<2000x256xf32>
    %neg3A_17 = arith.subf %neg3A_16, %abs3A : vector<2000x256xf32>
    %exp3A = math.exp %neg3A_17 : vector<2000x256xf32>
    %log1p3A = math.log1p %exp3A : vector<2000x256xf32>
    %add3A_18 = arith.addf %max3A_15, %log1p3A : vector<2000x256xf32>
    %swap3A = arith.constant 0 : index
    %swap3A_19 = arith.constant 0 : index
    %swap3A_20 = vector.load %arg5[%swap3A, %swap3A_19] : memref<2000x256xf32, #tpu.memory_space<vmem>>, vector<2000x256xf32>
    tpu.vector_store %arg5[%swap3A, %swap3A_19], %add3A_18 {strides = array<i32>} : memref<2000x256xf32, #tpu.memory_space<vmem>>, vector<2000x256xf32>,
    return
  }
  func.func @transform_0(%arg0: i32) -> (i32, i32) {
    %c0_i32 = arith.constant 0 : i32
    %c0_i32_0 = arith.constant 0 : i32
    return %arg0, %c0_i32 : i32, i32
  }
  func.func @transform_1(%arg0: i32) -> (i32, i32) {
    %c0_i32 = arith.constant 0 : i32
    %c0_i32_0 = arith.constant 0 : i32
    return %arg0, %c0_i32 : i32, i32
  }
  func.func @transform_2(%arg0: i32) -> (i32, i32) {
    %c0_i32 = arith.constant 0 : i32
    %c0_i32_0 = arith.constant 0 : i32
    %c0_i32_1 = arith.constant 0 : i32
    return %c0_i32, %c0_i32_0 : i32, i32
  }
  func.func @transform_3(%arg0: i32) -> (i32, i32) {
    %c0_i32 = arith.constant 0 : i32
    %c0_i32_0 = arith.constant 0 : i32
    %c0_i32_1 = arith.constant 0 : i32
    return %c0_i32, %c0_i32_0 : i32, i32
  }
  func.func @transform_4(%arg0: i32) -> (i32, i32) {
    %c0_i32 = arith.constant 0 : i32
    %c0_i32_0 = arith.constant 0 : i32
    return %arg0, %c0_i32 : i32, i32
  }
}

</mosaic_0001>

<sc_bundles>
// kernel: kernel.12.cloned.1.call-start
scs
__scs_entry_jumppad:
0x0: {  	(pc) =	sbr.rel $0x88, $3  }
0x1: {  	(tag) =	ssettag $0x0;
	lr =	simm.s32 $0x1  }
0x2: {  	[smem:$0x3F98] =	sst lr;
	_ =	strace $0xD0000000  }
0x3: {  	_ = 	snop  }
0x4: {  	_ = 	snop  }
0x5: {  	_ = 	snop  }
0x6: {  	_ = 	snop  }
0x7: {  	_ = 	snop  }
__scs_overlays_trampoline_lowered:
0x8: {  	[smem:$0x3FA7] =	sst s0  }
0x9: {  	[smem:$0x3FA8] =	sst s1  }
0xa: {  	[smem:$0x3FA9] =	sst s2  }
0xb: {  	[smem:$0x3FAA] =	sst s3  }
0xc: {  	[smem:$0x3FAB] =	sst s4  }
0xd: {  	[smem:$0x3FAC] =	sst s5  }
0xe: {  	[smem:$0x3FAD] =	sst s6  }
0xf: {  	[smem:$0x3FAE] =	sst s7  }
0x10: {  	[smem:$0x3FAF] =	sst s8  }
0x11: {  	[smem:$0x3FB0] =	sst s9;
	s0 =	simm.s32 @!p0 $0x0  }
0x12: {  	s1 =	sld [smem:$0x3F96];
	s0 =	simm.s32 @p0 $0x1  }
0x13: {  	[smem:$0x3FB1] =	sst s0;
	s0 =	simm.s32 @!p1 $0x0  }
0x14: {  	s2 =	sld [smem:$0x3F95];
	s0 =	simm.s32 @p1 $0x1  }
0x15: {  	[smem:$0x3FB2] =	sst s0;
	s0 =	simm.s32 @!p2 $0x0  }
0x16: {  	s3 =	sld [smem:$0x3FDB];
	s0 =	simm.s32 @p2 $0x1  }
0x17: {  	s4 =	simm.s32 $0x1BF5;
	[smem:$0x3FB4] =	sst s0  }
0x18: {  	s0 =	sld [smem:$0x3F97];
	_ =	swait.ge [sflag:s4], $0x0  }
0x19: {  	s7 =	sld [smem:$0x3F98]  }
0x1a: {  	s8 =	sadd.s32 $0xFFFFE003, lr  }
0x1b: {  	s9 =	sadd.s32 $0xFFFFFEF7, lr;
	s5 =	simm.s32 $0xFFFFFFFF;
	p2 =	slt.u32 s8, $0xFFFFF086  }
0x1c: {  	p1 =	slt.u32 s9, $0xF7A;
	s5 =	simm.s32 @!p2 $0x0  }
0x1d: {  	s5 =	simm.s32 @p1 $0x1;
	p0 =	seq.s32 s7, s2  }
0x1e: {  	s7 =	smul.u32 @!p0 $0xF7A, s2;
	p2 =	seq.s32 @!p0 s5, $0x0  }
0x1f: {  	s9 =	smul.u32 $0xF7A, s1;
	s8 =	simm.s32 @!p0 $0x1BF5;
	p2 =	por !p2, p0  }
0x20: {  	[sflag:s8] =	ssyncset.s32 @!p0 $0xFFFFF086;
	s6 =	sadd.s32 @!p0 s3, s7;
	s7 =	simm.s32 @!p0 $0x108  }
0x21: {  	s3 =	sadd.s32 s3, s9;
	s6 =	sadd.s32 @!p0 $0x88, s6;
	s7 =	simm.s32 @p2 $0x1082  }
0x22: {  	[simem:s7], [sflag:s8] =	dma.local @!p0 [hbm:s6], $0xF7A  }
0x23: {  	s9 =	sor.u32 $0xD0000000, s2;
	s6 =	simm.s32 $0x108;
	_ =	swait.ge @!p0 [sflag:s8], $0x0  }
0x24: {  	s3 =	sadd.s32 $0x88, s3;
	s6 =	simm.s32 @!p1 $0x1082;
	[sflag:s4] =	ssyncset.s32 $0xFFFFF086  }
0x25: {  	[simem:s6], [sflag:s4] =	dma.local [hbm:s3], $0xF7A  }
0x26: {  	[smem:$0x3F98] =	sst s1;
	(tag) =	ssettag s2;
	_ =	strace s9  }
0x27: {  	s1 =	sld [smem:$0x3FA8]  }
0x28: {  	s2 =	sld [smem:$0x3FA9]  }
0x29: {  	s4 =	sld [smem:$0x3FAB]  }
0x2a: {  	p0 =	seq.s32 s5, $0x0;
	s5 =	sld [smem:$0x3FAC]  }
0x2b: {  	s6 =	sld [smem:$0x3FAD]  }
0x2c: {  	s7 =	sld [smem:$0x3FAE]  }
0x2d: {  	s3 =	simm.s32 $0x108;
	s8 =	sld [smem:$0x3FAF]  }
0x2e: {  	s3 =	simm.s32 @!p0 $0x1082;
	s9 =	sld [smem:$0x3FB0]  }
0x2f: {  	lr =	sadd.s32 s0, s3;
	s0 =	sld [smem:$0x3FA7]  }
0x30: {  	s3 =	sld [smem:$0x3FAA]  }
0x31: {  	[smem:$0x3FB3] =	sst s10  }
0x32: {  	s10 =	sld [smem:$0x3FB1];
	_ =	sdelay $0x3  }
0x33: {  	p0 =	seq.s32 s10, $0x1;
	s10 =	sld [smem:$0x3FB3];
	_ =	sdelay $0x3  }
0x34: {  	[smem:$0x3FB3] =	sst s10  }
0x35: {  	s10 =	sld [smem:$0x3FB2];
	_ =	sdelay $0x3  }
0x36: {  	p1 =	seq.s32 s10, $0x1;
	s10 =	sld [smem:$0x3FB3];
	_ =	sdelay $0x3  }
0x37: {  	[smem:$0x3FB3] =	sst s10  }
0x38: {  	s10 =	sld [smem:$0x3FB4]  }
0x39: {  	_ = 	snop;
	(pc) =	sbr.ind lr, $3  }
0x3a: {  	_ = 	snop  }
0x3b: {  	_ = 	snop  }
0x3c: {  	p2 =	seq.s32 s10, $0x1;
	s10 =	sld [smem:$0x3FB3]  }
0x3d: {  	_ =	shalt  }
0x3e: {  	_ =	shalt  }
0x3f: {  	_ =	shalt  }
0x40: {  	_ =	shalt  }
0x41: {  	_ =	shalt  }
0x42: {  	_ =	shalt  }
0x43: {  	_ =	shalt  }
0x44: {  	_ =	shalt  }
0x45: {  	_ =	shalt  }
0x46: {  	_ =	shalt  }
0x47: {  	_ =	shalt  }
0x48: {  	_ =	shalt  }
0x49: {  	_ =	shalt  }
0x4a: {  	_ =	shalt  }
0x4b: {  	_ =	shalt  }
0x4c: {  	_ =	shalt  }
0x4d: {  	_ =	shalt  }
0x4e: {  	_ =	shalt  }
0x4f: {  	_ =	shalt  }
0x50: {  	_ =	shalt  }
0x51: {  	_ =	shalt  }
0x52: {  	_ =	shalt  }
0x53: {  	_ =	shalt  }
0x54: {  	_ =	shalt  }
0x55: {  	_ =	shalt  }
0x56: {  	_ =	shalt  }
0x57: {  	_ =	shalt  }
0x58: {  	_ =	shalt  }
0x59: {  	_ =	shalt  }
0x5a: {  	_ =	shalt  }
0x5b: {  	_ =	shalt  }
0x5c: {  	_ =	shalt  }
0x5d: {  	_ =	shalt  }
0x5e: {  	_ =	shalt  }
0x5f: {  	_ =	shalt  }
0x60: {  	_ =	shalt  }
0x61: {  	_ =	shalt  }
0x62: {  	_ =	shalt  }
0x63: {  	_ =	shalt  }
0x64: {  	_ =	shalt  }
0x65: {  	_ =	shalt  }
0x66: {  	_ =	shalt  }
0x67: {  	_ =	shalt  }
0x68: {  	_ =	shalt  }
0x69: {  	_ =	shalt  }
0x6a: {  	_ =	shalt  }
0x6b: {  	_ =	shalt  }
0x6c: {  	_ =	shalt  }
0x6d: {  	_ =	shalt  }
0x6e: {  	_ =	shalt  }
0x6f: {  	_ =	shalt  }
0x70: {  	_ =	shalt  }
0x71: {  	_ =	shalt  }
0x72: {  	_ =	shalt  }
0x73: {  	_ =	shalt  }
0x74: {  	_ =	shalt  }
0x75: {  	_ =	shalt  }
0x76: {  	_ =	shalt  }
0x77: {  	_ =	shalt  }
0x78: {  	_ =	shalt  }
0x79: {  	_ =	shalt  }
0x7a: {  	_ =	shalt  }
0x7b: {  	_ =	shalt  }
0x7c: {  	_ =	shalt  }
0x7d: {  	_ =	shalt  }
0x7e: {  	_ =	shalt  }
0x7f: {  	_ =	shalt  }
0x80: {  	_ =	shalt  }
0x81: {  	_ =	shalt  }
0x82: {  	_ =	shalt  }
0x83: {  	_ =	shalt  }
0x84: {  	_ =	shalt  }
0x85: {  	_ =	shalt  }
0x86: {  	_ =	shalt  }
0x87: {  	_ =	shalt  }
.Lfunc_end0:
.L_simem_size_0:
called_computation.1_lowered:
.L_overlay_start_0:
0x88: {  	s2 =	sld [smem:$0x3FD9]  }
0x89: {  	s3 =	sld [smem:$0x3FFE];
	_ =	sdelay $0x1  }
0x8a: {  	s1 =	srdreg.scid  }
0x8b: {  	s0 =	sand.u32 $0x1, s1  }
0x8c: {  	s17 =	sshll.u32 s0, $0xA;
	s2 =	sadd.s32 s3, s2  }
0x8d: {  	s2 =	sadd.s32 s2, s17  }
0x8e: {  	[smem:$0x3FBF] =	sst s2  }
0x8f: {  	_ = 	snop  }
0x90: {  	s2 =	sld [smem:$0x3FC7]  }
0x91: {  	s18 =	sld [smem:$0x3FD0];
	(tm) =	ssettm $0x1  }
0x92: {  	s4 =	sld [smem:$0x3FFB];
	_ =	sdelay $0x3  }
0x93: {  	_ =	strace s4  }
0x94: {  	s4 =	sld [smem:$0x3FFC];
	_ =	sdelay $0x3  }
0x95: {  	_ =	strace s4  }
0x96: {  	s4 =	sld [smem:$0x3FFD];
	_ =	sdelay $0x3  }
0x97: {  	_ =	strace s4  }
0x98: {  	_ =	strace $0x8FFFFFFF  }
0x99: {  	s19 =	sld [smem:$0x3FDB];
	_ =	sdelay $0x1  }
0x9a: {  	s5 =	simm.s32 $_scs_section_size  }
0x9b: {  	s6 =	simm.s32 $_size__tile_overlayer_lowered;
	s7 =	simm.s32 $_tile_overlayer_lowered  }
0x9c: {  	s22 =	simm.s32 $0x1BFF;
	s21 =	sshll.u32 s7, $0x1;
	s4 =	sadd.s32 s5, s19  }
0x9d: {  	s8 =	simm.s32 $0x0;
	s20 =	sshll.u32 s6, $0x1;
	s6 =	sadd.s32 s21, s4  }
0x9e: {  	[timem:s8], [sflag:s22] =	dma.local [hbm:s6], s20  }
0x9f: {  	_ =	swait.ge [sflag:s22], s20  }
0xa0: {  	s5 =	ssub.s32 $0x0, s20;
	[sflag:s22] =	ssyncset.done $0x0  }
0xa1: {  	[sflag:s22] =	ssyncadd.s32 s5;
	_ =	sdelay $0x1  }
0xa2: {  	s23 =	simm.s32 $0x1B8B  }
0xa3: {  	_ =	swait.ge [sflag:s23], $0x1  }
0xa4: {  	[sflag:s23] =	ssyncset.done $0x0  }
0xa5: {  	s25 =	simm.s32 $0x1B8E;
	s24 =	sld [smem:$0x3FFE];
	[sflag:s23] =	ssyncadd.s32 $0xFFFFFFFF  }
0xa6: {  	s26 =	simm.s32 $execute0_lowered;
	[smem:$0x3FD2] =	sst s25  }
0xa7: {  	s6 =	sshll.u32 s26, $0x1;
	_ =	strace $0x80000049;
	[dreg:$0x1] =	wrdreg $0xFFFFFFFF  }
0xa8: {  	s28 =	simm.s32 $_size_execute0_lowered;
	s4 =	sadd.s32 s4, s6;
	[dreg:$0x0] =	wrdreg $0x0  }
0xa9: {  	s6 =	sshll.u32 s28, $0x1;
	[dreg:$0x2] =	wrdreg s4  }
0xaa: {  	[dreg:$0x3] =	wrdreg s6  }
0xab: {  	[dreg:$0x4] =	wrdreg $0xC0  }
0xac: {  	_ =	task [dreg:s8], $0x5FFFF  }
0xad: {  	[dreg:$0x1] =	wrdreg $0xFFFFFFFF  }
0xae: {  	[dreg:$0x0] =	wrdreg $0x60  }
0xaf: {  	[dreg:$0x2] =	wrdreg s24  }
0xb0: {  	[dreg:$0x3] =	wrdreg s2  }
0xb1: {  	[dreg:$0x4] =	wrdreg s18  }
0xb2: {  	[dreg:$0x5] =	wrdreg $0x0  }
0xb3: {  	[dreg:$0x6] =	wrdreg $0x9  }
0xb4: {  	_ =	task.clear_ibuf [dreg:s8], $0x7FFFF;
	_ =	strace $0x90000049  }
0xb5: {  	s29 =	simm.s32 $0x9;
	_ =	strace $0x8000004B  }
0xb6: {  	_ =	swait.ge [sflag:s29], $0x1  }
0xb7: {  	[sflag:s29] =	ssyncadd.s32 $0xFFFFFFFF  }
0xb8: {  	_ =	strace $0x9000004B  }
0xb9: {  	_ =	sfence  }
0xba: {  	s30 =	sld [smem:$0x0];
	_ =	sdelay $0x2  }
0xbb: {  	s31 =	sshll.u32 s1, $0xD;
	s1 =	sshrl.u32 s1, $0x2  }
0xbc: {  	s3 =	sand.u32 $0x4000, s31;
	s1 =	sadd.s32 s1, s30  }
0xbd: {  	s0 =	sor.u32 s3, s0;
	s1 =	sshll.u32 s1, $0x11  }
0xbe: {  	s0 =	sor.u32 s1, s0  }
0xbf: {  	s0 =	sadd.s32 $0x8F2B, s0  }
0xc0: {  	[sflag:s0] =	ssyncadd.remote.s32 $0x1  }
0xc1: {  	_ =	sfence.sel $0xFFFF  }
0xc2: {  	[dreg:$0x0] =	wrdreg $0xFFFFFFFF;
	(pc) =	sbr.abs _section_cstart, $3  }
0xc3: {  	[dreg:$0x1] =	wrdreg $0xFFFFFFFF  }
0xc4: {  	_ =	task.clear_ibuf [dreg:s8], $0x2FFFF;
	_ =	strace $0x9FFFFFFF  }
0xc5: {  	(tm) =	ssettm $0x7FFFFFFF  }
tec
execute0_lowered:
.L_overlay_start_1:
0x0: {  	(tag) =	ssettag $0x1  }
0x1: {  	s4 =	rddreg [dreg:$0x0]  }
0x2: {  	s14 =	rddreg [dreg:$0x1];
	s1 =	stileid.u32  }
0x3: {  	s12 =	rddreg [dreg:$0x2];
	s6 =	smul.u32 $0x4E200, s1  }
0x4: {  	s2 =	rddreg [dreg:$0x3];
	s20 =	smul.u32 $0x19000, s1  }
0x5: {  	s0 =	rddreg [dreg:$0x4];
	s17 =	smul.u32 $0xC800, s1  }
0x6: {  	s5 =	srdreg.scid;
	s21 =	sor.u32 $0x10, s1;
	s31 =	smul.u32 $0x4E2, s1  }
0x7: {  	s3 =	simm.s32 $0x0;
	s9 =	sor.u32 $0x20, s1;
	s8 =	smul.u32 $0x19000, s21  }
0x8: {  	s5 =	sand.u32 $0x1, s5;
	s16 =	sor.u32 $0x30, s1;
	s10 =	smul.u32 $0x19000, s9  }
0x9: {  	[smem:$0x7FF] =	sst s3;
	s7 =	ssub.s32 $0x2, s5;
	s23 =	smul.u32 $0x19000, s16  }
0xa: {  	_ =	strace $0x8000004A;
	s15 =	sshll.u32 s5, $0x7;
	s26 =	smul.u32 $0xC800, s9  }
0xb: {  	s11 =	sshll.u32 s5, $0xA;
	s30 =	smul.u32 $0xC800, s16;
	p0 =	sgt.u32 s16, $0x31  }
0xc: {  	s16 =	simm.s32 $0x1;
	s13 =	sadd.s32 s6, s4;
	s19 =	sshrl.u32 s7, $0x1  }
0xd: {  	s22 =	sshrl.u32 s20, $0x2;
	s24 =	sor.u32 s11, s17;
	s14 =	sadd.s32 s31, s14  }
0xe: {  	s20 =	simm.s32 $0x13900;
	s4 =	ssub.s32 s7, s19;
	s5 =	sadd.s32 s22, s2  }
0xf: {  	s8 =	sshrl.u32 s8, $0x2;
	s10 =	sshrl.u32 s10, $0x2;
	s18 =	sshrl.u32 s23, $0x2  }
0x10: {  	s19 =	smul.u32 $0xC800, s21;
	s28 =	sshrl.u32 s24, $0x3;
	s17 =	sor.u32 s11, s30  }
0x11: {  	s13 =	sadd.s32 s15, s13;
	s15 =	simm.s32 $0x16100;
	s21 =	simm.s32 $0x50  }
0x12: {  	s22 =	simm.s32 $0x8;
	s23 =	simm.s32 $0x100;
	s24 =	simm.s32 $0x80  }
0x13: {  	s4 =	smax.u32 s4, $0x1;
	s6 =	sadd.s32 s8, s2;
	s7 =	sadd.s32 s10, s2  }
0x14: {  	s8 =	sadd.s32 s18, s2;
	s9 =	sadd.s32 s12, s28;
	s18 =	sor.u32 s11, s26  }
0x15: {  	s17 =	sshrl.u32 s17, $0x3;
	s13 =	sadd.s32 $0xD6FC00, s13;
	s25 =	sor.u32 s11, s19  }
0x16: {  	s18 =	sshrl.u32 s18, $0x3;
	s19 =	simm.s32 $0x800;
	s29 =	sshrl.u32 s25, $0x3  }
0x17: {  	s11 =	sadd.s32 s12, s18;
	s18 =	simm.s32 $0x400;
	s25 =	simm.s32 $0x0  }
0x18: {  	v0 =	vimm.f32 $0.0e+00;
	s10 =	sadd.s32 s12, s29;
	s12 =	sadd.s32 s12, s17;
	s17 =	simm.s32 $0x13880  }
.LBB2_1:
0x19: {  	s26 =	simm.s32 $0x0;
	s28 =	simm.s32 $0x200  }
.LBB2_2:
0x1a: {  	p1 =	sne.s32 s28, $0x18E00;
	[tilespmem:s26+$0x16170] =	vst v0  }
0x1b: {  	[tilespmem:s26+$0x16100] =	vst v0  }
0x1c: {  	[tilespmem:s26+$0x16110] =	vst v0  }
.Ltmp0:
0x1d: {  	[tilespmem:s26+$0x16120] =	vst v0;
	(pc) =	sbr.rel @p1 .LBB2_2-.Ltmp0, $4  }
0x1e: {  	[tilespmem:s26+$0x16130] =	vst v0  }
0x1f: {  	[tilespmem:s26+$0x16140] =	vst v0  }
0x20: {  	[tilespmem:s26+$0x16150] =	vst v0  }
0x21: {  	[tilespmem:s26+$0x16160] =	vst v0;
	s26 =	sshra.s32 s28, $0x2;
	s28 =	sadd.s32 $0x200, s28  }
0x22: {  	[tilespmem:s26+$0x16170] =	vst v0  }
0x23: {  	[tilespmem:s26+$0x16100] =	vst v0  }
0x24: {  	[tilespmem:s26+$0x16110] =	vst v0  }
0x25: {  	[tilespmem:s26+$0x16120] =	vst v0  }
0x26: {  	[tilespmem:s26+$0x16130] =	vst v0  }
0x27: {  	[tilespmem:s26+$0x16140] =	vst v0  }
0x28: {  	[tilespmem:s26+$0x16150] =	vst v0  }
0x29: {  	[tilespmem:s26+$0x16160] =	vst v0  }
0x2a: {  	[spmem:s5] =	stream.linear.scatter [tilespmem:s15], [sflag:$0x1], $0x6400, $0x38;
	[tilespmem:$0x1C500] =	vst v63  }
0x2b: {  	_ =	swait.ge [sflag:s16], $0x6400  }
0x2c: {  	[sflag:s16] =	ssyncset.done $0x0  }
0x2d: {  	[sflag:s16] =	ssyncadd.s32 $0xFFFF9C00  }
0x2e: {  	[spmem:s6] =	stream.linear.scatter [tilespmem:s15], [sflag:$0x1], $0x6400, $0x38;
	[tilespmem:$0x1C500] =	vst v63  }
0x2f: {  	_ =	swait.ge [sflag:s16], $0x6400  }
0x30: {  	[sflag:s16] =	ssyncset.done $0x0  }
0x31: {  	[sflag:s16] =	ssyncadd.s32 $0xFFFF9C00  }
0x32: {  	[spmem:s7] =	stream.linear.scatter [tilespmem:s15], [sflag:$0x1], $0x6400, $0x38;
	[tilespmem:$0x1C500] =	vst v63  }
0x33: {  	_ =	swait.ge [sflag:s16], $0x6400  }
0x34: {  	[sflag:s16] =	ssyncset.done $0x0  }
0x35: {  	s26 =	simm.s32 @!p0 $0x16100;
	[sflag:s16] =	ssyncadd.s32 $0xFFFF9C00  }
0x36: {  	[spmem:s8] =	stream.linear.scatter @!p0 [tilespmem:s26], [sflag:$0x1], $0x6400, $0x38;
	[tilespmem:$0x1C500] =	vst v63  }
0x37: {  	s26 =	simm.s32 @!p0 $0x1  }
0x38: {  	_ =	swait.ge @!p0 [sflag:s26], $0x6400  }
0x39: {  	[sflag:s26] =	ssyncset.done @!p0 $0x0  }
0x3a: {  	[sflag:s26] =	ssyncadd.s32 @!p0 $0xFFFF9C00  }
0x3b: {  	s31 =	sadd.s32 $0x0, s14;
	[bflag:$0x0] =	sbarrier.arrive $0xFFFF  }
0x3c: {  	[tilespmem:s17], [sflag:$0x1] =	stream.linear.gather [hbm4b:s31+s3], $0x50, $0x38;
	[tilespmem:$0x1C500] =	vst v63  }
0x3d: {  	_ =	swait.ge [sflag:s16], $0x50  }
0x3e: {  	[sflag:s16] =	ssyncset.done $0x0  }
0x3f: {  	[sflag:s16] =	ssyncadd.s32 $0xFFFFFFB0  }
0x40: {  	[tilespmem:s20], [sflag:$0x1] =	stream.strided.gather [hbm4b:s13+s18], $0x2800, s19, s18, $0x38;
	[tilespmem:$0x1C500] =	vst v63  }
0x41: {  	_ =	swait.ge [sflag:s16], $0x2800  }
0x42: {  	[sflag:s16] =	ssyncset.done $0x0  }
0x43: {  	[sflag:s16] =	ssyncadd.s32 $0xFFFFD800  }
0x44: {  	[spmem:s2] =	stream.indirect.scatter.add.f32 [tilespmem:s20], [sflag:$0x1], $0x80, s17, s21, $0xb8;
	[tilespmem:$0x1C500] =	vst v63  }
0x45: {  	s28 =	simm.s32 $0xA;
	_ =	swait.ge [sflag:s16], $0x2800  }
0x46: {  	s29 =	simm.s32 $0x14;
	s26 =	sadd.s32 $0xA00, s13;
	[sflag:s16] =	ssyncset.done $0x0  }
.LBB2_4:
0x47: {  	s30 =	sadd.s32 s28, s14  }
0x48: {  	[sflag:s16] =	ssyncadd.s32 $0xFFFFD800;
	s28 =	smov.u32 s29;
	s31 =	sadd.s32 $0xA, s29  }
0x49: {  	[tilespmem:s17], [sflag:$0x1] =	stream.linear.gather [hbm4b:s30+s3], $0x50, $0x38;
	[tilespmem:$0x1C500] =	vst v63  }
0x4a: {  	p1 =	sne.s32 s29, $0x4D8;
	_ =	swait.ge [sflag:s16], $0x50  }
0x4b: {  	[sflag:s16] =	ssyncset.done $0x0  }
0x4c: {  	[sflag:s16] =	ssyncadd.s32 $0xFFFFFFB0  }
0x4d: {  	[tilespmem:s20], [sflag:$0x1] =	stream.strided.gather [hbm4b:s26+s18], $0x2800, s19, s18, $0x38;
	[tilespmem:$0x1C500] =	vst v63  }
0x4e: {  	_ =	swait.ge [sflag:s16], $0x2800  }
.Ltmp1:
0x4f: {  	[sflag:s16] =	ssyncset.done $0x0;
	(pc) =	sbr.rel @p1 .LBB2_4-.Ltmp1, $4  }
0x50: {  	[sflag:s16] =	ssyncadd.s32 $0xFFFFD800  }
0x51: {  	[spmem:s2] =	stream.indirect.scatter.add.f32 [tilespmem:s20], [sflag:$0x1], $0x80, s17, s21, $0xb8;
	[tilespmem:$0x1C500] =	vst v63  }
0x52: {  	_ =	swait.ge [sflag:s16], $0x2800  }
0x53: {  	s29 =	smov.u32 s31;
	s26 =	sadd.s32 $0xA00, s26;
	[sflag:s16] =	ssyncset.done $0x0  }
0x54: {  	s28 =	sadd.s32 s28, s14;
	[sflag:s16] =	ssyncadd.s32 $0xFFFFD800  }
0x55: {  	[tilespmem:s17], [sflag:$0x1] =	stream.linear.gather [hbm4b:s28+s3], $0x50, $0x38;
	[tilespmem:$0x1C500] =	vst v63  }
0x56: {  	_ =	swait.ge [sflag:s16], $0x50  }
0x57: {  	[sflag:s16] =	ssyncset.done $0x0  }
0x58: {  	[sflag:s16] =	ssyncadd.s32 $0xFFFFFFB0  }
0x59: {  	[tilespmem:s20], [sflag:$0x1] =	stream.strided.gather [hbm4b:s26+s18], $0x2800, s19, s18, $0x38;
	[tilespmem:$0x1C500] =	vst v63  }
0x5a: {  	_ =	swait.ge [sflag:s16], $0x2800  }
0x5b: {  	[sflag:s16] =	ssyncset.done $0x0  }
0x5c: {  	[sflag:s16] =	ssyncadd.s32 $0xFFFFD800  }
0x5d: {  	[spmem:s2] =	stream.indirect.scatter.add.f32 [tilespmem:s20], [sflag:$0x1], $0x80, s17, s21, $0xb8;
	[tilespmem:$0x1C500] =	vst v63  }
0x5e: {  	_ =	swait.ge [sflag:s16], $0x2800  }
0x5f: {  	[sflag:s16] =	ssyncset.done $0x0  }
0x60: {  	s28 =	sshll.u32 s1, $0x6;
	[sflag:s16] =	ssyncadd.s32 $0xFFFFD800  }
0x61: {  	s29 =	sshrl.u32 s5, $0x3;
	s26 =	sor.u32 $0x1C01, s28;
	[bflag:$0x0] =	sbarrier.arrive $0xFFFF  }
0x62: {  	[hbm:s9@s23], [sflag:s26] =	dma.strided [spmem:s29@s24], $0xC80, s22, $0x10   }
0x63: {  	_ =	swait.ge [sflag:s16], $0xC80  }
0x64: {  	[sflag:s16] =	ssyncset.done $0x0  }
0x65: {  	s30 =	sshrl.u32 s6, $0x3;
	[sflag:s16] =	ssyncadd.s32 $0xFFFFF380  }
0x66: {  	[hbm:s10@s23], [sflag:s26] =	dma.strided [spmem:s30@s24], $0xC80, s22, $0x10   }
0x67: {  	_ =	swait.ge [sflag:s16], $0xC80  }
0x68: {  	[sflag:s16] =	ssyncset.done $0x0  }
0x69: {  	s31 =	sshrl.u32 s7, $0x3;
	s25 =	sadd.s32 $0x1, s25;
	[sflag:s16] =	ssyncadd.s32 $0xFFFFF380  }
0x6a: {  	[hbm:s11@s23], [sflag:s26] =	dma.strided [spmem:s31@s24], $0xC80, s22, $0x10   }
0x6b: {  	p1 =	sne.s32 s25, s4;
	_ =	swait.ge [sflag:s16], $0xC80  }
0x6c: {  	s28 =	sshrl.u32 @!p0 s8, $0x3;
	s29 =	simm.s32 @!p0 $0x8;
	[sflag:s16] =	ssyncset.done $0x0  }
0x6d: {  	s30 =	simm.s32 @!p0 $0x100;
	s31 =	simm.s32 @!p0 $0x80;
	[sflag:s16] =	ssyncadd.s32 $0xFFFFF380  }
0x6e: {  	[hbm:s12@s30], [sflag:s26] =	dma.strided @!p0 [spmem:s28@s31], $0xC80, s29, $0x10   }
.Ltmp2:
0x6f: {  	_ = 	snop;
	(pc) =	sbr.rel @p1 .LBB2_1-.Ltmp2, $4  }
0x70: {  	s26 =	simm.s32 @!p0 $0x1  }
0x71: {  	_ =	swait.ge @!p0 [sflag:s26], $0xC80  }
0x72: {  	[sflag:s26] =	ssyncset.done @!p0 $0x0  }
0x73: {  	[sflag:s26] =	ssyncadd.s32 @!p0 $0xFFFFF380  }
0x74: {  	_ =	sfence.sel $0x180000  }
0x75: {  	[bflag:$0x0] =	sbarrier.arrive $0xFFFF  }
0x76: {  	p0 =	sne.s32 s1, $0x0;
	_ =	strace $0x9000004A  }
0x77: {  	s0 =	sadd.s32 @!p0 $0x100000, s0;
	[bflag:$0x2] =	sbarrier.arrive $0xFFFF  }
0x78: {  	[sflag:s0] =	ssyncadd.tile.s32 @!p0 $0x1;
	_ =	shalt  }
.Lfunc_end2:
_tile_overlayer_lowered:
.L_overlay_start_2:
0x79: {  	(tag) =	ssettag $0x2  }
0x7a: {  	s0 =	rddreg [dreg:$0x0];
	s2 =	stileid.u32  }
0x7b: {  	s1 =	rddreg [dreg:$0x1];
	p0 =	sne.s32 s2, $0x0  }
0x7c: {  	s3 =	rddreg [dreg:$0x2];
	[bflag:$0x3] =	sbarrier.arrive $0xFFFF;
	s2 =	simm.s32 @!p0 $0x1C01  }
0x7d: {  	[timem:s3], [sflag:s2] =	dma.local @!p0 [hbm:s0], s1  }
0x7e: {  	s0 =	simm.s32 @!p0 $0x1  }
0x7f: {  	_ =	swait.ge @!p0 [sflag:s0], s1  }
0x80: {  	s1 =	ssub.s32 @!p0 $0x0, s1;
	[sflag:s0] =	ssyncset.done @!p0 $0x0  }
0x81: {  	[sflag:s0] =	ssyncadd.s32 @!p0 s1  }
0x82: {  	[bflag:$0x3] =	sbarrier.arrive $0xFFFF  }
0x83: {  	_ =	shalt  }

// kernel: kernel.9.cloned.1.call-start
scs
__scs_entry_jumppad:
0x0: {  	(pc) =	sbr.rel $0x88, $3  }
0x1: {  	(tag) =	ssettag $0x0;
	lr =	simm.s32 $0x1  }
0x2: {  	[smem:$0x3F98] =	sst lr;
	_ =	strace $0xD0000000  }
0x3: {  	_ = 	snop  }
0x4: {  	_ = 	snop  }
0x5: {  	_ = 	snop  }
0x6: {  	_ = 	snop  }
0x7: {  	_ = 	snop  }
__scs_overlays_trampoline_lowered:
0x8: {  	[smem:$0x3FA7] =	sst s0  }
0x9: {  	[smem:$0x3FA8] =	sst s1  }
0xa: {  	[smem:$0x3FA9] =	sst s2  }
0xb: {  	[smem:$0x3FAA] =	sst s3  }
0xc: {  	[smem:$0x3FAB] =	sst s4  }
0xd: {  	[smem:$0x3FAC] =	sst s5  }
0xe: {  	[smem:$0x3FAD] =	sst s6  }
0xf: {  	[smem:$0x3FAE] =	sst s7  }
0x10: {  	[smem:$0x3FAF] =	sst s8  }
0x11: {  	[smem:$0x3FB0] =	sst s9;
	s0 =	simm.s32 @!p0 $0x0  }
0x12: {  	s1 =	sld [smem:$0x3F96];
	s0 =	simm.s32 @p0 $0x1  }
0x13: {  	[smem:$0x3FB1] =	sst s0;
	s0 =	simm.s32 @!p1 $0x0  }
0x14: {  	s2 =	sld [smem:$0x3F95];
	s0 =	simm.s32 @p1 $0x1  }
0x15: {  	[smem:$0x3FB2] =	sst s0;
	s0 =	simm.s32 @!p2 $0x0  }
0x16: {  	s3 =	sld [smem:$0x3FDB];
	s0 =	simm.s32 @p2 $0x1  }
0x17: {  	s4 =	simm.s32 $0x1BF5;
	[smem:$0x3FB4] =	sst s0  }
0x18: {  	s0 =	sld [smem:$0x3F97];
	_ =	swait.ge [sflag:s4], $0x0  }
0x19: {  	s7 =	sld [smem:$0x3F98]  }
0x1a: {  	s8 =	sadd.s32 $0xFFFFE003, lr  }
0x1b: {  	s9 =	sadd.s32 $0xFFFFFEF7, lr;
	s5 =	simm.s32 $0xFFFFFFFF;
	p2 =	slt.u32 s8, $0xFFFFF086  }
0x1c: {  	p1 =	slt.u32 s9, $0xF7A;
	s5 =	simm.s32 @!p2 $0x0  }
0x1d: {  	s5 =	simm.s32 @p1 $0x1;
	p0 =	seq.s32 s7, s2  }
0x1e: {  	s7 =	smul.u32 @!p0 $0xF7A, s2;
	p2 =	seq.s32 @!p0 s5, $0x0  }
0x1f: {  	s9 =	smul.u32 $0xF7A, s1;
	s8 =	simm.s32 @!p0 $0x1BF5;
	p2 =	por !p2, p0  }
0x20: {  	[sflag:s8] =	ssyncset.s32 @!p0 $0xFFFFF086;
	s6 =	sadd.s32 @!p0 s3, s7;
	s7 =	simm.s32 @!p0 $0x108  }
0x21: {  	s3 =	sadd.s32 s3, s9;
	s6 =	sadd.s32 @!p0 $0x88, s6;
	s7 =	simm.s32 @p2 $0x1082  }
0x22: {  	[simem:s7], [sflag:s8] =	dma.local @!p0 [hbm:s6], $0xF7A  }
0x23: {  	s9 =	sor.u32 $0xD0000000, s2;
	s6 =	simm.s32 $0x108;
	_ =	swait.ge @!p0 [sflag:s8], $0x0  }
0x24: {  	s3 =	sadd.s32 $0x88, s3;
	s6 =	simm.s32 @!p1 $0x1082;
	[sflag:s4] =	ssyncset.s32 $0xFFFFF086  }
0x25: {  	[simem:s6], [sflag:s4] =	dma.local [hbm:s3], $0xF7A  }
0x26: {  	[smem:$0x3F98] =	sst s1;
	(tag) =	ssettag s2;
	_ =	strace s9  }
0x27: {  	s1 =	sld [smem:$0x3FA8]  }
0x28: {  	s2 =	sld [smem:$0x3FA9]  }
0x29: {  	s4 =	sld [smem:$0x3FAB]  }
0x2a: {  	p0 =	seq.s32 s5, $0x0;
	s5 =	sld [smem:$0x3FAC]  }
0x2b: {  	s6 =	sld [smem:$0x3FAD]  }
0x2c: {  	s7 =	sld [smem:$0x3FAE]  }
0x2d: {  	s3 =	simm.s32 $0x108;
	s8 =	sld [smem:$0x3FAF]  }
0x2e: {  	s3 =	simm.s32 @!p0 $0x1082;
	s9 =	sld [smem:$0x3FB0]  }
0x2f: {  	lr =	sadd.s32 s0, s3;
	s0 =	sld [smem:$0x3FA7]  }
0x30: {  	s3 =	sld [smem:$0x3FAA]  }
0x31: {  	[smem:$0x3FB3] =	sst s10  }
0x32: {  	s10 =	sld [smem:$0x3FB1];
	_ =	sdelay $0x3  }
0x33: {  	p0 =	seq.s32 s10, $0x1;
	s10 =	sld [smem:$0x3FB3];
	_ =	sdelay $0x3  }
0x34: {  	[smem:$0x3FB3] =	sst s10  }
0x35: {  	s10 =	sld [smem:$0x3FB2];
	_ =	sdelay $0x3  }
0x36: {  	p1 =	seq.s32 s10, $0x1;
	s10 =	sld [smem:$0x3FB3];
	_ =	sdelay $0x3  }
0x37: {  	[smem:$0x3FB3] =	sst s10  }
0x38: {  	s10 =	sld [smem:$0x3FB4]  }
0x39: {  	_ = 	snop;
	(pc) =	sbr.ind lr, $3  }
0x3a: {  	_ = 	snop  }
0x3b: {  	_ = 	snop  }
0x3c: {  	p2 =	seq.s32 s10, $0x1;
	s10 =	sld [smem:$0x3FB3]  }
0x3d: {  	_ =	shalt  }
0x3e: {  	_ =	shalt  }
0x3f: {  	_ =	shalt  }
0x40: {  	_ =	shalt  }
0x41: {  	_ =	shalt  }
0x42: {  	_ =	shalt  }
0x43: {  	_ =	shalt  }
0x44: {  	_ =	shalt  }
0x45: {  	_ =	shalt  }
0x46: {  	_ =	shalt  }
0x47: {  	_ =	shalt  }
0x48: {  	_ =	shalt  }
0x49: {  	_ =	shalt  }
0x4a: {  	_ =	shalt  }
0x4b: {  	_ =	shalt  }
0x4c: {  	_ =	shalt  }
0x4d: {  	_ =	shalt  }
0x4e: {  	_ =	shalt  }
0x4f: {  	_ =	shalt  }
0x50: {  	_ =	shalt  }
0x51: {  	_ =	shalt  }
0x52: {  	_ =	shalt  }
0x53: {  	_ =	shalt  }
0x54: {  	_ =	shalt  }
0x55: {  	_ =	shalt  }
0x56: {  	_ =	shalt  }
0x57: {  	_ =	shalt  }
0x58: {  	_ =	shalt  }
0x59: {  	_ =	shalt  }
0x5a: {  	_ =	shalt  }
0x5b: {  	_ =	shalt  }
0x5c: {  	_ =	shalt  }
0x5d: {  	_ =	shalt  }
0x5e: {  	_ =	shalt  }
0x5f: {  	_ =	shalt  }
0x60: {  	_ =	shalt  }
0x61: {  	_ =	shalt  }
0x62: {  	_ =	shalt  }
0x63: {  	_ =	shalt  }
0x64: {  	_ =	shalt  }
0x65: {  	_ =	shalt  }
0x66: {  	_ =	shalt  }
0x67: {  	_ =	shalt  }
0x68: {  	_ =	shalt  }
0x69: {  	_ =	shalt  }
0x6a: {  	_ =	shalt  }
0x6b: {  	_ =	shalt  }
0x6c: {  	_ =	shalt  }
0x6d: {  	_ =	shalt  }
0x6e: {  	_ =	shalt  }
0x6f: {  	_ =	shalt  }
0x70: {  	_ =	shalt  }
0x71: {  	_ =	shalt  }
0x72: {  	_ =	shalt  }
0x73: {  	_ =	shalt  }
0x74: {  	_ =	shalt  }
0x75: {  	_ =	shalt  }
0x76: {  	_ =	shalt  }
0x77: {  	_ =	shalt  }
0x78: {  	_ =	shalt  }
0x79: {  	_ =	shalt  }
0x7a: {  	_ =	shalt  }
0x7b: {  	_ =	shalt  }
0x7c: {  	_ =	shalt  }
0x7d: {  	_ =	shalt  }
0x7e: {  	_ =	shalt  }
0x7f: {  	_ =	shalt  }
0x80: {  	_ =	shalt  }
0x81: {  	_ =	shalt  }
0x82: {  	_ =	shalt  }
0x83: {  	_ =	shalt  }
0x84: {  	_ =	shalt  }
0x85: {  	_ =	shalt  }
0x86: {  	_ =	shalt  }
0x87: {  	_ =	shalt  }
.Lfunc_end0:
.L_simem_size_0:
called_computation_lowered:
.L_overlay_start_0:
0x88: {  	s2 =	sld [smem:$0x3FD9]  }
0x89: {  	s3 =	sld [smem:$0x3FFE];
	_ =	sdelay $0x1  }
0x8a: {  	s1 =	srdreg.scid  }
0x8b: {  	s0 =	sand.u32 $0x1, s1  }
0x8c: {  	s17 =	sshll.u32 s0, $0xA;
	s2 =	sadd.s32 s3, s2  }
0x8d: {  	s2 =	sadd.s32 s2, s17  }
0x8e: {  	[smem:$0x3FBF] =	sst s2  }
0x8f: {  	_ = 	snop  }
0x90: {  	s2 =	sld [smem:$0x3FC7]  }
0x91: {  	s18 =	sld [smem:$0x3FC6];
	(tm) =	ssettm $0x1  }
0x92: {  	s4 =	sld [smem:$0x3FFB];
	_ =	sdelay $0x3  }
0x93: {  	_ =	strace s4  }
0x94: {  	s4 =	sld [smem:$0x3FFC];
	_ =	sdelay $0x3  }
0x95: {  	_ =	strace s4  }
0x96: {  	s4 =	sld [smem:$0x3FFD];
	_ =	sdelay $0x3  }
0x97: {  	_ =	strace s4  }
0x98: {  	_ =	strace $0x8FFFFFFF  }
0x99: {  	s19 =	sld [smem:$0x3FDB];
	_ =	sdelay $0x1  }
0x9a: {  	s5 =	simm.s32 $_scs_section_size  }
0x9b: {  	s6 =	simm.s32 $_size__tile_overlayer_lowered;
	s7 =	simm.s32 $_tile_overlayer_lowered  }
0x9c: {  	s22 =	simm.s32 $0x1BFF;
	s21 =	sshll.u32 s7, $0x1;
	s4 =	sadd.s32 s5, s19  }
0x9d: {  	s8 =	simm.s32 $0x0;
	s20 =	sshll.u32 s6, $0x1;
	s6 =	sadd.s32 s21, s4  }
0x9e: {  	[timem:s8], [sflag:s22] =	dma.local [hbm:s6], s20  }
0x9f: {  	_ =	swait.ge [sflag:s22], s20  }
0xa0: {  	s5 =	ssub.s32 $0x0, s20;
	[sflag:s22] =	ssyncset.done $0x0  }
0xa1: {  	[sflag:s22] =	ssyncadd.s32 s5;
	_ =	sdelay $0x1  }
0xa2: {  	s23 =	simm.s32 $0x1B8B  }
0xa3: {  	_ =	swait.ge [sflag:s23], $0x1  }
0xa4: {  	[sflag:s23] =	ssyncset.done $0x0  }
0xa5: {  	s25 =	simm.s32 $0x1B8E;
	s24 =	sld [smem:$0x3FFE];
	[sflag:s23] =	ssyncadd.s32 $0xFFFFFFFF  }
0xa6: {  	s26 =	simm.s32 $execute0_lowered;
	[smem:$0x3FD2] =	sst s25  }
0xa7: {  	s6 =	sshll.u32 s26, $0x1;
	_ =	strace $0x80000046;
	[dreg:$0x1] =	wrdreg $0xFFFFFFFF  }
0xa8: {  	s28 =	simm.s32 $_size_execute0_lowered;
	s4 =	sadd.s32 s4, s6;
	[dreg:$0x0] =	wrdreg $0x0  }
0xa9: {  	s6 =	sshll.u32 s28, $0x1;
	[dreg:$0x2] =	wrdreg s4  }
0xaa: {  	[dreg:$0x3] =	wrdreg s6  }
0xab: {  	[dreg:$0x4] =	wrdreg $0xC0  }
0xac: {  	_ =	task [dreg:s8], $0x5FFFF  }
0xad: {  	[dreg:$0x1] =	wrdreg $0xFFFFFFFF  }
0xae: {  	[dreg:$0x0] =	wrdreg $0x60  }
0xaf: {  	[dreg:$0x2] =	wrdreg s24  }
0xb0: {  	[dreg:$0x3] =	wrdreg s2  }
0xb1: {  	[dreg:$0x4] =	wrdreg s18  }
0xb2: {  	[dreg:$0x5] =	wrdreg $0x9  }
0xb3: {  	_ =	task.clear_ibuf [dreg:s8], $0x6FFFF;
	_ =	strace $0x90000046  }
0xb4: {  	s29 =	simm.s32 $0x9;
	_ =	strace $0x80000048  }
0xb5: {  	_ =	swait.ge [sflag:s29], $0x1  }
0xb6: {  	[sflag:s29] =	ssyncadd.s32 $0xFFFFFFFF  }
0xb7: {  	_ =	strace $0x90000048  }
0xb8: {  	_ =	sfence  }
0xb9: {  	s30 =	sld [smem:$0x0];
	_ =	sdelay $0x2  }
0xba: {  	s31 =	sshll.u32 s1, $0xD;
	s1 =	sshrl.u32 s1, $0x2  }
0xbb: {  	s3 =	sand.u32 $0x4000, s31;
	s1 =	sadd.s32 s1, s30  }
0xbc: {  	s0 =	sor.u32 s3, s0;
	s1 =	sshll.u32 s1, $0x11  }
0xbd: {  	s0 =	sor.u32 s1, s0  }
0xbe: {  	s0 =	sadd.s32 $0x8F2B, s0  }
0xbf: {  	[sflag:s0] =	ssyncadd.remote.s32 $0x1  }
0xc0: {  	_ =	sfence.sel $0xFFFF  }
0xc1: {  	[dreg:$0x0] =	wrdreg $0xFFFFFFFF;
	(pc) =	sbr.abs _section_cstart, $3  }
0xc2: {  	[dreg:$0x1] =	wrdreg $0xFFFFFFFF  }
0xc3: {  	_ =	task.clear_ibuf [dreg:s8], $0x2FFFF;
	_ =	strace $0x9FFFFFFF  }
0xc4: {  	(tm) =	ssettm $0x7FFFFFFF  }
0xc5: {  	_ =	shalt  }
tec
execute0_lowered:
.L_overlay_start_1:
0x0: {  	(tag) =	ssettag $0x1  }
0x1: {  	s0 =	rddreg [dreg:$0x0]  }
0x2: {  	s1 =	rddreg [dreg:$0x1]  }
0x3: {  	s7 =	rddreg [dreg:$0x2]  }
0x4: {  	s3 =	srdreg.scid;
	s4 =	stileid.u32;
	s2 =	simm.s32 $0x0  }
0x5: {  	s12 =	simm.s32 $0x3;
	s14 =	simm.s32 $0x2800;
	s21 =	simm.s32 $0x6000  }
0x6: {  	s22 =	simm.s32 $0x6800;
	s23 =	simm.s32 $0x7000;
	s28 =	simm.s32 $0x9000  }
0x7: {  	s29 =	simm.s32 $0x9800;
	s30 =	simm.s32 $0xA000;
	s31 =	simm.s32 $0xA800  }
0x8: {  	s13 =	simm.s32 $0xC000;
	s15 =	simm.s32 $0x0;
	s3 =	sand.u32 $0x1, s3  }
0x9: {  	s4 =	sshll.u32 s4, $0x1;
	[smem:$0x7FF] =	sst s2;
	s5 =	sadd.s32 $0x9E800, s0  }
0xa: {  	s6 =	sadd.s32 $0x13AC00, s0;
	s4 =	sor.u32 s3, s4;
	s8 =	ssub.s32 $0x2, s3  }
0xb: {  	s10 =	sadd.s32 $0x9E900, s0;
	s3 =	smul.u32 $0x1388, s4;
	s9 =	sshrl.u32 s8, $0x1  }
0xc: {  	_ =	strace $0x80000047;
	s4 =	sadd.s32 $0x2400, s0;
	s8 =	ssub.s32 s8, s9  }
0xd: {  	s9 =	sadd.s32 $0x2500, s0;
	s0 =	simm.s32 $0xB000;
	s24 =	sshrl.u32 s3, $0x3  }
0xe: {  	s26 =	smax.u32 s8, $0x1;
	s8 =	simm.s32 $0x2;
	s1 =	sadd.s32 s1, s24  }
0xf: {  	v2 =	vlaneseq.u32;
	s25 =	sadd.s32 s7, s24;
	[dreg:$0x6] =	wrdreg s26;
	s24 =	simm.s32 $0x7800  }
0x10: {  	vm0 =	vmmov $0xffff;
	v1 =	vshrl.u32 v2, $0x3;
	s26 =	simm.s32 $0x8800;
	s7 =	simm.s32 $0x1;
	[dreg:$0x4] =	wrdreg s1  }
0x11: {  	v0 =	vand.u32 $0x7, v2;
	v2 =	vor.u32 $0x8, v2;
	v1 =	vmul.u32 $0x8, v1;
	[dreg:$0x5] =	wrdreg s25;
	s25 =	simm.s32 $0x8000;
	s1 =	simm.s32 $0xB800  }
.LBB2_1:
0x12: {  	[dreg:$0x7] =	wrdreg s15  }
0x13: {  	s11 =	rddreg [dreg:$0x4]  }
0x14: {  	[tilespmem:s2], [sflag:$0x3] =	stream.linear.gather [hbm4b:s11+s2], $0x1388, $0x38;
	[tilespmem:$0xC800] =	vst v63  }
0x15: {  	_ =	swait.ge [sflag:s12], $0x1388  }
0x16: {  	[sflag:s12] =	ssyncset.done $0x0  }
0x17: {  	s20 =	simm.s32 $0x1400;
	s19 =	rddreg [dreg:$0x5];
	[sflag:s12] =	ssyncadd.s32 $0xFFFFEC78  }
0x18: {  	[tilespmem:s20], [sflag:$0x3] =	stream.linear.gather [hbm4b:s19+s2], $0x1388, $0x38;
	[tilespmem:$0xC800] =	vst v63  }
0x19: {  	_ =	swait.ge [sflag:s12], $0x1388  }
0x1a: {  	[sflag:s12] =	ssyncset.done $0x0  }
0x1b: {  	s11 =	simm.s32 $0x0;
	[sflag:s12] =	ssyncadd.s32 $0xFFFFEC78  }
.LBB2_2:
0x1c: {  	s15 =	smul.u32 $0x28, s11;
	_ =	sdelay $0x1  }
0x1d: {  	v3 =	vld [tilespmem:s15+$0x0];
	_ =	sdelay $0x4  }
0x1e: {  	v4 =	vshll.u32 v3, $0x2  }
0x1f: {  	v3 =	vand.u32 $0x7, v3;
	v4 =	vand.u32 $0xFFFFFFE0, v4  }
0x20: {  	v3 =	vor.u32 v3, v4  }
0x21: {  	v4 =	vperm.xlane v3, v0;
	_ =	sdelay $0x1  }
0x22: {  	v4 =	vadd.s32 v1, v4;
	_ =	sdelay $0x1  }
0x23: {  	v3 =	vperm.xlane v3, v2;
	_ =	sdelay $0x1  }
0x24: {  	s16 =	simm.s32 $0x0;
	v3 =	vadd.s32 v1, v3  }
0x25: {  	[tilespmem:s14], [sflag:$0x1] =	stream.indirect_vreg.gather [hbm4b:s4+s16], $0x80, v4, vm0, $0xb8;
	[tilespmem:$0xC800] =	vst v63  }
0x26: {  	s17 =	simm.s32 $0x3000  }
0x27: {  	[tilespmem:s17], [sflag:$0x1] =	stream.indirect_vreg.gather [hbm4b:s9+s16], $0x80, v4, vm0, $0xb8;
	[tilespmem:$0xC800] =	vst v63  }
0x28: {  	s18 =	simm.s32 $0x3800  }
0x29: {  	[tilespmem:s18], [sflag:$0x1] =	stream.indirect_vreg.gather [hbm4b:s4+s16], $0x80, v3, vm0, $0xb8;
	[tilespmem:$0xC800] =	vst v63  }
0x2a: {  	s19 =	simm.s32 $0x4000  }
0x2b: {  	[tilespmem:s19], [sflag:$0x1] =	stream.indirect_vreg.gather [hbm4b:s9+s16], $0x80, v3, vm0, $0xb8;
	[tilespmem:$0xC800] =	vst v63  }
0x2c: {  	v3 =	vld [tilespmem:s15+$0x10];
	_ =	sdelay $0x4  }
0x2d: {  	v4 =	vshll.u32 v3, $0x2  }
0x2e: {  	v3 =	vand.u32 $0x7, v3;
	v4 =	vand.u32 $0xFFFFFFE0, v4  }
0x2f: {  	v3 =	vor.u32 v3, v4  }
0x30: {  	v4 =	vperm.xlane v3, v0;
	_ =	sdelay $0x1  }
0x31: {  	v4 =	vadd.s32 v1, v4;
	_ =	sdelay $0x1  }
0x32: {  	v3 =	vperm.xlane v3, v2;
	_ =	sdelay $0x1  }
0x33: {  	s20 =	simm.s32 $0x4800;
	v3 =	vadd.s32 v1, v3  }
0x34: {  	[tilespmem:s20], [sflag:$0x1] =	stream.indirect_vreg.gather [hbm4b:s4+s16], $0x80, v4, vm0, $0xb8;
	[tilespmem:$0xC800] =	vst v63  }
0x35: {  	s18 =	simm.s32 $0x5000  }
0x36: {  	[tilespmem:s18], [sflag:$0x1] =	stream.indirect_vreg.gather [hbm4b:s9+s16], $0x80, v4, vm0, $0xb8;
	[tilespmem:$0xC800] =	vst v63  }
0x37: {  	s19 =	simm.s32 $0x5800  }
0x38: {  	[tilespmem:s19], [sflag:$0x1] =	stream.indirect_vreg.gather [hbm4b:s4+s16], $0x80, v3, vm0, $0xb8;
	[tilespmem:$0xC800] =	vst v63  }
0x39: {  	_ = 	snop  }
0x3a: {  	[tilespmem:s21], [sflag:$0x1] =	stream.indirect_vreg.gather [hbm4b:s9+s16], $0x80, v3, vm0, $0xb8;
	[tilespmem:$0xC800] =	vst v63  }
0x3b: {  	v3 =	vld.msk [tilespmem:s15+$0x20], $0xff;
	_ =	sdelay $0x4  }
0x3c: {  	v4 =	vshll.u32 v3, $0x2  }
0x3d: {  	v3 =	vand.u32 $0x7, v3;
	v4 =	vand.u32 $0xFFFFFFE0, v4  }
0x3e: {  	v3 =	vor.u32 v3, v4  }
0x3f: {  	v3 =	vperm.xlane v3, v0;
	_ =	sdelay $0x1  }
0x40: {  	v3 =	vadd.s32 v1, v3;
	_ =	sdelay $0x4  }
0x41: {  	[tilespmem:s22], [sflag:$0x1] =	stream.indirect_vreg.gather [hbm4b:s4+s16], $0x80, v3, vm0, $0xb8;
	[tilespmem:$0xC800] =	vst v63  }
0x42: {  	_ = 	snop  }
0x43: {  	[tilespmem:s23], [sflag:$0x1] =	stream.indirect_vreg.gather [hbm4b:s9+s16], $0x80, v3, vm0, $0xb8;
	[tilespmem:$0xC800] =	vst v63  }
0x44: {  	v3 =	vld [tilespmem:s15+$0x1400];
	_ =	sdelay $0x4  }
0x45: {  	v4 =	vshll.u32 v3, $0x2  }
0x46: {  	v3 =	vand.u32 $0x7, v3;
	v4 =	vand.u32 $0xFFFFFFE0, v4  }
0x47: {  	v3 =	vor.u32 v3, v4  }
0x48: {  	v4 =	vperm.xlane v3, v0;
	_ =	sdelay $0x1  }
0x49: {  	v4 =	vadd.s32 v1, v4;
	_ =	sdelay $0x1  }
0x4a: {  	v3 =	vperm.xlane v3, v2;
	_ =	sdelay $0x1  }
0x4b: {  	v3 =	vadd.s32 v1, v3  }
0x4c: {  	[tilespmem:s24], [sflag:$0x2] =	stream.indirect_vreg.gather [hbm4b:s5+s16], $0x80, v4, vm0, $0xb8;
	[tilespmem:$0xC800] =	vst v63  }
0x4d: {  	_ = 	snop  }
0x4e: {  	[tilespmem:s25], [sflag:$0x2] =	stream.indirect_vreg.gather [hbm4b:s10+s16], $0x80, v4, vm0, $0xb8;
	[tilespmem:$0xC800] =	vst v63  }
0x4f: {  	_ = 	snop  }
0x50: {  	[tilespmem:s26], [sflag:$0x2] =	stream.indirect_vreg.gather [hbm4b:s5+s16], $0x80, v3, vm0, $0xb8;
	[tilespmem:$0xC800] =	vst v63  }
0x51: {  	_ = 	snop  }
0x52: {  	[tilespmem:s28], [sflag:$0x2] =	stream.indirect_vreg.gather [hbm4b:s10+s16], $0x80, v3, vm0, $0xb8;
	[tilespmem:$0xC800] =	vst v63  }
0x53: {  	v3 =	vld [tilespmem:s15+$0x1410];
	_ =	sdelay $0x4  }
0x54: {  	v4 =	vshll.u32 v3, $0x2  }
0x55: {  	v3 =	vand.u32 $0x7, v3;
	v4 =	vand.u32 $0xFFFFFFE0, v4  }
0x56: {  	v3 =	vor.u32 v3, v4  }
0x57: {  	v4 =	vperm.xlane v3, v0;
	_ =	sdelay $0x1  }
0x58: {  	v4 =	vadd.s32 v1, v4;
	_ =	sdelay $0x1  }
0x59: {  	v3 =	vperm.xlane v3, v2;
	_ =	sdelay $0x1  }
0x5a: {  	v3 =	vadd.s32 v1, v3  }
0x5b: {  	[tilespmem:s29], [sflag:$0x2] =	stream.indirect_vreg.gather [hbm4b:s5+s16], $0x80, v4, vm0, $0xb8;
	[tilespmem:$0xC800] =	vst v63  }
0x5c: {  	_ = 	snop  }
0x5d: {  	[tilespmem:s30], [sflag:$0x2] =	stream.indirect_vreg.gather [hbm4b:s10+s16], $0x80, v4, vm0, $0xb8;
	[tilespmem:$0xC800] =	vst v63  }
0x5e: {  	_ = 	snop  }
0x5f: {  	[tilespmem:s31], [sflag:$0x2] =	stream.indirect_vreg.gather [hbm4b:s5+s16], $0x80, v3, vm0, $0xb8;
	[tilespmem:$0xC800] =	vst v63  }
0x60: {  	_ = 	snop  }
0x61: {  	[tilespmem:s0], [sflag:$0x2] =	stream.indirect_vreg.gather [hbm4b:s10+s16], $0x80, v3, vm0, $0xb8;
	[tilespmem:$0xC800] =	vst v63  }
0x62: {  	v3 =	vld.msk [tilespmem:s15+$0x1420], $0xff;
	_ =	sdelay $0x4  }
0x63: {  	v4 =	vshll.u32 v3, $0x2  }
0x64: {  	v3 =	vand.u32 $0x7, v3;
	v4 =	vand.u32 $0xFFFFFFE0, v4  }
0x65: {  	v3 =	vor.u32 v3, v4  }
0x66: {  	v3 =	vperm.xlane v3, v0;
	_ =	sdelay $0x1  }
0x67: {  	v3 =	vadd.s32 v1, v3;
	_ =	sdelay $0x4  }
0x68: {  	[tilespmem:s1], [sflag:$0x2] =	stream.indirect_vreg.gather [hbm4b:s5+s16], $0x80, v3, vm0, $0xb8;
	[tilespmem:$0xC800] =	vst v63  }
0x69: {  	_ = 	snop  }
0x6a: {  	[tilespmem:s13], [sflag:$0x2] =	stream.indirect_vreg.gather [hbm4b:s10+s16], $0x80, v3, vm0, $0xb8;
	[tilespmem:$0xC800] =	vst v63  }
0x6b: {  	_ =	swait.ge [sflag:s7], $0x5000  }
0x6c: {  	[sflag:s7] =	ssyncset.done $0x0  }
0x6d: {  	[sflag:s7] =	ssyncadd.s32 $0xFFFFB000  }
0x6e: {  	_ =	swait.ge [sflag:s8], $0x5000  }
0x6f: {  	s20 =	sand.u32 $0x7000, s16;
	s16 =	sand.u32 $0x380, s16;
	[sflag:s8] =	ssyncset.done $0x0  }
0x70: {  	s16 =	sor.u32 s16, s20;
	[sflag:s8] =	ssyncadd.s32 $0xFFFFB000  }
0x71: {  	v10 =	vld [tilespmem:s16+$0x7800]  }
0x72: {  	v11 =	vld [tilespmem:s16+$0x7810]  }
0x73: {  	v12 =	vld [tilespmem:s16+$0x7820]  }
0x74: {  	v13 =	vld [tilespmem:s16+$0x7830]  }
0x75: {  	v14 =	vld [tilespmem:s16+$0x7840]  }
0x76: {  	v15 =	vld [tilespmem:s16+$0x7850]  }
0x77: {  	v16 =	vld [tilespmem:s16+$0x7860]  }
0x78: {  	v17 =	vld [tilespmem:s16+$0x7870]  }
0x79: {  	v18 =	vld [tilespmem:s16+$0x7C00]  }
0x7a: {  	v19 =	vld [tilespmem:s16+$0x7C10]  }
0x7b: {  	v20 =	vld [tilespmem:s16+$0x7C20]  }
0x7c: {  	v21 =	vld [tilespmem:s16+$0x7C30]  }
0x7d: {  	v22 =	vld [tilespmem:s16+$0x7C40]  }
0x7e: {  	v23 =	vld [tilespmem:s16+$0x7C50]  }
0x7f: {  	v24 =	vld [tilespmem:s16+$0x7C60]  }
0x80: {  	v25 =	vld [tilespmem:s16+$0x7C70]  }
0x81: {  	v26 =	vld [tilespmem:s16+$0x8000]  }
0x82: {  	v27 =	vld [tilespmem:s16+$0x8010]  }
0x83: {  	v28 =	vld [tilespmem:s16+$0x8020]  }
0x84: {  	v29 =	vld [tilespmem:s16+$0x8030]  }
0x85: {  	v30 =	vld [tilespmem:s16+$0x8040]  }
0x86: {  	v31 =	vld [tilespmem:s16+$0x8050]  }
0x87: {  	v32 =	vld [tilespmem:s16+$0x8060]  }
0x88: {  	v33 =	vld [tilespmem:s16+$0x8070]  }
0x89: {  	v34 =	vld [tilespmem:s16+$0x8400]  }
0x8a: {  	v9 =	vld [tilespmem:s16+$0x8410]  }
0x8b: {  	v8 =	vld [tilespmem:s16+$0x8420]  }
0x8c: {  	v7 =	vld [tilespmem:s16+$0x8430]  }
0x8d: {  	v6 =	vld [tilespmem:s16+$0x8440]  }
0x8e: {  	v5 =	vld [tilespmem:s16+$0x8450]  }
0x8f: {  	v4 =	vld [tilespmem:s16+$0x8460]  }
0x90: {  	v3 =	vld [tilespmem:s16+$0x8470]  }
0x91: {  	v35 =	vld [tilespmem:s16+$0x2800]  }
0x92: {  	v36 =	vld [tilespmem:s16+$0x2810]  }
0x93: {  	v37 =	vld [tilespmem:s16+$0x2820]  }
0x94: {  	v38 =	vld [tilespmem:s16+$0x2830]  }
0x95: {  	v39 =	vld [tilespmem:s16+$0x2840]  }
0x96: {  	v62 =	vld [tilespmem:s16+$0x2850];
	v10 =	vadd.f32 v10, v35  }
0x97: {  	v63 =	vld [tilespmem:s16+$0x2860];
	v11 =	vadd.f32 v11, v36  }
0x98: {  	[tilespmem:s16+$0x2800] =	vst v10;
	v10 =	vadd.f32 v12, v37;
	v12 =	vld [tilespmem:s16+$0x2870]  }
0x99: {  	[tilespmem:s16+$0x2810] =	vst v11;
	v11 =	vadd.f32 v13, v38;
	v13 =	vld [tilespmem:s16+$0x2C00]  }
0x9a: {  	[tilespmem:s16+$0x2820] =	vst v10;
	v10 =	vadd.f32 v14, v39;
	v14 =	vld [tilespmem:s16+$0x2C10]  }
0x9b: {  	[tilespmem:s16+$0x2830] =	vst v11;
	v11 =	vadd.f32 v15, v62;
	v15 =	vld [tilespmem:s16+$0x2C20]  }
0x9c: {  	[tilespmem:s16+$0x2840] =	vst v10;
	v10 =	vadd.f32 v16, v63;
	v16 =	vld [tilespmem:s16+$0x2C30]  }
0x9d: {  	[tilespmem:s16+$0x2850] =	vst v11;
	v11 =	vadd.f32 v17, v12;
	v12 =	vld [tilespmem:s16+$0x2C40]  }
0x9e: {  	[tilespmem:s16+$0x2860] =	vst v10;
	v10 =	vadd.f32 v18, v13;
	v13 =	vld [tilespmem:s16+$0x2C50]  }
0x9f: {  	[tilespmem:s16+$0x2870] =	vst v11;
	v11 =	vadd.f32 v19, v14;
	v14 =	vld [tilespmem:s16+$0x2C60]  }
0xa0: {  	[tilespmem:s16+$0x2C00] =	vst v10;
	v10 =	vadd.f32 v20, v15;
	v15 =	vld [tilespmem:s16+$0x2C70]  }
0xa1: {  	[tilespmem:s16+$0x2C10] =	vst v11;
	v11 =	vadd.f32 v21, v16;
	v16 =	vld [tilespmem:s16+$0x3000]  }
0xa2: {  	[tilespmem:s16+$0x2C20] =	vst v10;
	v10 =	vadd.f32 v22, v12;
	v12 =	vld [tilespmem:s16+$0x3010]  }
0xa3: {  	[tilespmem:s16+$0x2C30] =	vst v11;
	v11 =	vadd.f32 v23, v13;
	v13 =	vld [tilespmem:s16+$0x3020]  }
0xa4: {  	[tilespmem:s16+$0x2C40] =	vst v10;
	v10 =	vadd.f32 v24, v14;
	v14 =	vld [tilespmem:s16+$0x3030]  }
0xa5: {  	[tilespmem:s16+$0x2C50] =	vst v11;
	v11 =	vadd.f32 v25, v15;
	v15 =	vld [tilespmem:s16+$0x3040]  }
0xa6: {  	[tilespmem:s16+$0x2C60] =	vst v10;
	v10 =	vadd.f32 v26, v16;
	v16 =	vld [tilespmem:s16+$0x3050]  }
0xa7: {  	v17 =	vld [tilespmem:s16+$0x3060];
	[tilespmem:s16+$0x2C70] =	vst v11;
	v11 =	vadd.f32 v27, v12  }
0xa8: {  	v18 =	vld [tilespmem:s16+$0x3070];
	[tilespmem:s16+$0x3000] =	vst v10;
	v10 =	vadd.f32 v28, v13  }
0xa9: {  	[tilespmem:s16+$0x3010] =	vst v11;
	v11 =	vadd.f32 v29, v14;
	v14 =	vld [tilespmem:s16+$0x3400]  }
0xaa: {  	v13 =	vld [tilespmem:s16+$0x3410];
	[tilespmem:s16+$0x3020] =	vst v10;
	v10 =	vadd.f32 v30, v15  }
0xab: {  	v12 =	vld [tilespmem:s16+$0x3420];
	[tilespmem:s16+$0x3030] =	vst v11;
	v11 =	vadd.f32 v31, v16  }
0xac: {  	v15 =	vadd.f32 v32, v17;
	[tilespmem:s16+$0x3040] =	vst v10;
	v10 =	vld [tilespmem:s16+$0x3430]  }
0xad: {  	v16 =	vadd.f32 v33, v18;
	[tilespmem:s16+$0x3050] =	vst v11;
	v11 =	vld [tilespmem:s16+$0x3440]  }
0xae: {  	s17 =	simm.s32 $0x80;
	s18 =	simm.s32 $0x200;
	[tilespmem:s16+$0x3060] =	vst v15;
	v15 =	vadd.f32 v34, v14;
	v14 =	vld [tilespmem:s16+$0x3450]  }
.LBB2_3:
0xaf: {  	s19 =	sand.u32 $0x7000, s18;
	s20 =	sand.u32 $0x380, s17;
	p0 =	sne.s32 s18, $0x4E00;
	[tilespmem:s16+$0x3070] =	vst v16;
	v9 =	vadd.f32 v9, v13;
	v13 =	vld [tilespmem:s16+$0x3460]  }
0xb0: {  	s19 =	sor.u32 s20, s19;
	[tilespmem:s16+$0x3400] =	vst v15;
	v8 =	vadd.f32 v8, v12;
	v12 =	vld [tilespmem:s16+$0x3470]  }
0xb1: {  	v15 =	vld [tilespmem:s19+$0x7800];
	[tilespmem:s16+$0x3410] =	vst v9;
	v7 =	vadd.f32 v7, v10  }
0xb2: {  	v10 =	vld [tilespmem:s19+$0x7810];
	[tilespmem:s16+$0x3420] =	vst v8;
	v6 =	vadd.f32 v6, v11  }
0xb3: {  	v11 =	vld [tilespmem:s19+$0x7820];
	[tilespmem:s16+$0x3430] =	vst v7;
	v5 =	vadd.f32 v5, v14  }
0xb4: {  	v14 =	vld [tilespmem:s19+$0x7830];
	[tilespmem:s16+$0x3440] =	vst v6;
	v4 =	vadd.f32 v4, v13  }
0xb5: {  	v13 =	vld [tilespmem:s19+$0x7840];
	[tilespmem:s16+$0x3450] =	vst v5;
	v3 =	vadd.f32 v3, v12  }
0xb6: {  	v12 =	vld [tilespmem:s19+$0x7850];
	[tilespmem:s16+$0x3460] =	vst v4  }
0xb7: {  	v16 =	vld [tilespmem:s19+$0x7860];
	[tilespmem:s16+$0x3470] =	vst v3;
	s16 =	smov.u32 s19  }
0xb8: {  	v17 =	vld [tilespmem:s16+$0x7870]  }
0xb9: {  	v18 =	vld [tilespmem:s16+$0x7C00]  }
0xba: {  	v19 =	vld [tilespmem:s16+$0x7C10]  }
0xbb: {  	v20 =	vld [tilespmem:s16+$0x7C20]  }
0xbc: {  	v21 =	vld [tilespmem:s16+$0x7C30]  }
0xbd: {  	v22 =	vld [tilespmem:s16+$0x7C40]  }
0xbe: {  	v23 =	vld [tilespmem:s16+$0x7C50]  }
0xbf: {  	v24 =	vld [tilespmem:s16+$0x7C60]  }
0xc0: {  	v25 =	vld [tilespmem:s16+$0x7C70]  }
0xc1: {  	v26 =	vld [tilespmem:s16+$0x8000]  }
0xc2: {  	v27 =	vld [tilespmem:s16+$0x8010]  }
0xc3: {  	v28 =	vld [tilespmem:s16+$0x8020]  }
0xc4: {  	v29 =	vld [tilespmem:s16+$0x8030]  }
0xc5: {  	v30 =	vld [tilespmem:s16+$0x8040]  }
0xc6: {  	v31 =	vld [tilespmem:s16+$0x8050]  }
0xc7: {  	v32 =	vld [tilespmem:s16+$0x8060]  }
0xc8: {  	v33 =	vld [tilespmem:s16+$0x8070]  }
0xc9: {  	v34 =	vld [tilespmem:s16+$0x8400]  }
0xca: {  	v9 =	vld [tilespmem:s16+$0x8410]  }
0xcb: {  	v8 =	vld [tilespmem:s16+$0x8420]  }
0xcc: {  	v7 =	vld [tilespmem:s16+$0x8430]  }
0xcd: {  	v6 =	vld [tilespmem:s16+$0x8440]  }
0xce: {  	v5 =	vld [tilespmem:s16+$0x8450]  }
0xcf: {  	v4 =	vld [tilespmem:s16+$0x8460]  }
0xd0: {  	v3 =	vld [tilespmem:s16+$0x8470]  }
0xd1: {  	v35 =	vld [tilespmem:s16+$0x2800]  }
0xd2: {  	v36 =	vld [tilespmem:s16+$0x2810]  }
0xd3: {  	v37 =	vld [tilespmem:s16+$0x2820]  }
0xd4: {  	v38 =	vld [tilespmem:s16+$0x2830]  }
0xd5: {  	v39 =	vld [tilespmem:s16+$0x2840]  }
0xd6: {  	v15 =	vadd.f32 v15, v35;
	v35 =	vld [tilespmem:s16+$0x2850]  }
0xd7: {  	v10 =	vadd.f32 v10, v36;
	v36 =	vld [tilespmem:s16+$0x2860]  }
0xd8: {  	[tilespmem:s16+$0x2800] =	vst v15;
	v11 =	vadd.f32 v11, v37;
	v15 =	vld [tilespmem:s16+$0x2870]  }
0xd9: {  	[tilespmem:s16+$0x2810] =	vst v10;
	v10 =	vadd.f32 v14, v38;
	v14 =	vld [tilespmem:s16+$0x2C00]  }
0xda: {  	[tilespmem:s16+$0x2820] =	vst v11;
	v11 =	vadd.f32 v13, v39;
	v13 =	vld [tilespmem:s16+$0x2C10]  }
0xdb: {  	[tilespmem:s16+$0x2830] =	vst v10;
	v10 =	vadd.f32 v12, v35;
	v12 =	vld [tilespmem:s16+$0x2C20]  }
0xdc: {  	[tilespmem:s16+$0x2840] =	vst v11;
	v11 =	vadd.f32 v16, v36;
	v16 =	vld [tilespmem:s16+$0x2C30]  }
0xdd: {  	[tilespmem:s16+$0x2850] =	vst v10;
	v10 =	vadd.f32 v17, v15;
	v15 =	vld [tilespmem:s16+$0x2C40]  }
0xde: {  	[tilespmem:s16+$0x2860] =	vst v11;
	v11 =	vadd.f32 v18, v14;
	v14 =	vld [tilespmem:s16+$0x2C50]  }
0xdf: {  	[tilespmem:s16+$0x2870] =	vst v10;
	v10 =	vadd.f32 v19, v13;
	v13 =	vld [tilespmem:s16+$0x2C60]  }
0xe0: {  	[tilespmem:s16+$0x2C00] =	vst v11;
	v11 =	vadd.f32 v20, v12;
	v12 =	vld [tilespmem:s16+$0x2C70]  }
0xe1: {  	[tilespmem:s16+$0x2C10] =	vst v10;
	v10 =	vadd.f32 v21, v16;
	v16 =	vld [tilespmem:s16+$0x3000]  }
0xe2: {  	[tilespmem:s16+$0x2C20] =	vst v11;
	v11 =	vadd.f32 v22, v15;
	v15 =	vld [tilespmem:s16+$0x3010]  }
0xe3: {  	[tilespmem:s16+$0x2C30] =	vst v10;
	v10 =	vadd.f32 v23, v14;
	v14 =	vld [tilespmem:s16+$0x3020]  }
0xe4: {  	[tilespmem:s16+$0x2C40] =	vst v11;
	v11 =	vadd.f32 v24, v13;
	v13 =	vld [tilespmem:s16+$0x3030]  }
0xe5: {  	[tilespmem:s16+$0x2C50] =	vst v10;
	v10 =	vadd.f32 v25, v12;
	v12 =	vld [tilespmem:s16+$0x3040]  }
0xe6: {  	[tilespmem:s16+$0x2C60] =	vst v11;
	v11 =	vadd.f32 v26, v16;
	v16 =	vld [tilespmem:s16+$0x3050]  }
0xe7: {  	[tilespmem:s16+$0x2C70] =	vst v10;
	v10 =	vadd.f32 v27, v15;
	v15 =	vld [tilespmem:s16+$0x3060]  }
0xe8: {  	[tilespmem:s16+$0x3000] =	vst v11;
	v11 =	vadd.f32 v28, v14;
	v14 =	vld [tilespmem:s16+$0x3070]  }
0xe9: {  	[tilespmem:s16+$0x3010] =	vst v10;
	v10 =	vadd.f32 v29, v13;
	v17 =	vld [tilespmem:s16+$0x3400]  }
.Ltmp0:
0xea: {  	[tilespmem:s16+$0x3020] =	vst v11;
	v11 =	vadd.f32 v30, v12;
	v13 =	vld [tilespmem:s16+$0x3410];
	(pc) =	sbr.rel @p0 .LBB2_3-.Ltmp0, $4  }
0xeb: {  	[tilespmem:s16+$0x3030] =	vst v10;
	v16 =	vadd.f32 v31, v16;
	v12 =	vld [tilespmem:s16+$0x3420]  }
0xec: {  	[tilespmem:s16+$0x3040] =	vst v11;
	v15 =	vadd.f32 v32, v15;
	v10 =	vld [tilespmem:s16+$0x3430]  }
0xed: {  	[tilespmem:s16+$0x3050] =	vst v16;
	v16 =	vadd.f32 v33, v14;
	v11 =	vld [tilespmem:s16+$0x3440]  }
0xee: {  	s17 =	sadd.s32 $0x80, s17;
	s18 =	sadd.s32 $0x200, s18;
	[tilespmem:s16+$0x3060] =	vst v15;
	v15 =	vadd.f32 v34, v17;
	v14 =	vld [tilespmem:s16+$0x3450]  }
0xef: {  	[tilespmem:s16+$0x3070] =	vst v16;
	v9 =	vadd.f32 v9, v13;
	v62 =	vld [tilespmem:s16+$0x3460]  }
0xf0: {  	v63 =	vld [tilespmem:s16+$0x3470];
	[tilespmem:s16+$0x3400] =	vst v15;
	v8 =	vadd.f32 v8, v12  }
0xf1: {  	[tilespmem:s16+$0x3410] =	vst v9;
	v7 =	vadd.f32 v7, v10  }
0xf2: {  	[tilespmem:s16+$0x3420] =	vst v8;
	v6 =	vadd.f32 v6, v11  }
0xf3: {  	[tilespmem:s16+$0x3430] =	vst v7;
	v5 =	vadd.f32 v5, v14  }
0xf4: {  	[tilespmem:s16+$0x3440] =	vst v6;
	v4 =	vadd.f32 v4, v62  }
0xf5: {  	s15 =	sadd.s32 s3, s15;
	s11 =	sadd.s32 $0x1, s11;
	v3 =	vadd.f32 v3, v63;
	[tilespmem:s16+$0x3450] =	vst v5  }
0xf6: {  	s15 =	sshll.u32 s15, $0x6;
	p0 =	sne.s32 s11, $0x7D;
	[tilespmem:s16+$0x3460] =	vst v4  }
.Ltmp1:
0xf7: {  	s15 =	sadd.s32 s6, s15;
	[tilespmem:s16+$0x3470] =	vst v3;
	(pc) =	sbr.rel @p0 .LBB2_2-.Ltmp1, $4  }
0xf8: {  	[hbm4b:s15+s2] =	stream.linear.scatter [tilespmem:s14], [sflag:$0x3], $0x5000, $0x38;
	[tilespmem:$0xC800] =	vst v63  }
0xf9: {  	_ =	swait.ge [sflag:s12], $0x5000  }
0xfa: {  	[sflag:s12] =	ssyncset.done $0x0  }
0xfb: {  	[sflag:s12] =	ssyncadd.s32 $0xFFFFB000  }
0xfc: {  	s15 =	rddreg [dreg:$0x7]  }
0xfd: {  	s11 =	rddreg [dreg:$0x6];
	s15 =	sadd.s32 $0x1, s15  }
0xfe: {  	p0 =	sne.s32 s15, s11  }
.Ltmp2:
0xff: {  	_ = 	snop;
	(pc) =	sbr.rel @p0 .LBB2_1-.Ltmp2, $1  }
0x100: {  	_ =	sdelay $0x3  }
0x101: {  	_ =	sfence.sel $0x180000  }
0x102: {  	[bflag:$0x0] =	sbarrier.arrive $0xFFFF  }
0x103: {  	_ =	strace $0x90000047  }
0x104: {  	s0 =	stileid.u32;
	[bflag:$0x2] =	sbarrier.arrive $0xFFFF  }
0x105: {  	p0 =	sne.s32 s0, $0x0;
	s0 =	rddreg [dreg:$0x3]  }
0x106: {  	s0 =	sadd.s32 @!p0 $0x100000, s0  }
0x107: {  	[sflag:s0] =	ssyncadd.tile.s32 @!p0 $0x1;
	_ =	shalt  }
.Lfunc_end2:
_tile_overlayer_lowered:
.L_overlay_start_2:
0x108: {  	(tag) =	ssettag $0x2  }
0x109: {  	s0 =	rddreg [dreg:$0x0];
	s2 =	stileid.u32  }
0x10a: {  	s1 =	rddreg [dreg:$0x1];
	p0 =	sne.s32 s2, $0x0  }
0x10b: {  	s3 =	rddreg [dreg:$0x2];
	[bflag:$0x3] =	sbarrier.arrive $0xFFFF;
	s2 =	simm.s32 @!p0 $0x1C03  }
0x10c: {  	[timem:s3], [sflag:s2] =	dma.local @!p0 [hbm:s0], s1  }
0x10d: {  	s0 =	simm.s32 @!p0 $0x3  }
0x10e: {  	_ =	swait.ge @!p0 [sflag:s0], s1  }
0x10f: {  	s1 =	ssub.s32 @!p0 $0x0, s1;
	[sflag:s0] =	ssyncset.done @!p0 $0x0  }
0x110: {  	[sflag:s0] =	ssyncadd.s32 @!p0 s1  }
0x111: {  	[bflag:$0x3] =	sbarrier.arrive $0xFFFF  }
0x112: {  	_ =	shalt  }

</sc_bundles>
